<compile_context>
chip_gen: v7x
topology: tpu7x:2x2x1
jax: 0.10.2.dev20260603
libtpu: 0.0.44.dev20260713+nightly
codegen_flags: <defaults>
</compile_context>

<pallas_src>
import jax
import jax.numpy as jnp
from jax import lax
from jax.experimental import pallas as pl
from jax.experimental.pallas import tpu as pltpu
from jax.experimental.pallas import tpu_sc as plsc

N = 10000
E = 320000
D = 128

NC = 2
NS = 16
NW = NC * NS
EPW = E // NW
N_PAD = 10112
DUMP = N
RPT = N_PAD // NS

WIN = 96
NWIN = 106
WALLOC = NWIN + 2

WINC = 128
CH = 4
NITERC = 10
NWINC = 8 * NITERC
NCHUNKC = NWINC // CH + 2


def _sc_agg_kernel():
    mesh = plsc.VectorSubcoreMesh(core_axis_name="c", subcore_axis_name="s")
    out = jax.ShapeDtypeStruct((NC, N_PAD, D), jnp.float32)
    scratch = [
        pltpu.VMEM_SHARED((N_PAD, D), jnp.float32),
        pltpu.VMEM((2, WIN), jnp.int32),
        pltpu.VMEM((2, WIN), jnp.int32),
        pltpu.VMEM((WIN, D), jnp.float32),
        pltpu.VMEM((WIN, D), jnp.float32),
        pltpu.SemaphoreType.DMA,
        pltpu.SemaphoreType.DMA,
        pltpu.SemaphoreType.DMA,
        pltpu.SemaphoreType.DMA,
    ]

    def body(x_hbm, idx_hbm, zrow_hbm, agg_out, acc, idx0, idx1,
             rows0, rows1, sem0, sem1, isem0, isem1):
        c = lax.axis_index("c")
        s = lax.axis_index("s")
        wid = c * NS + s
        r0 = s * RPT

        pltpu.sync_copy(zrow_hbm.at[pl.ds(r0, RPT)], acc.at[pl.ds(r0, RPT)])
        pltpu.sync_copy(idx_hbm.at[wid, 0], idx0)
        pltpu.sync_copy(idx_hbm.at[wid, 1], idx1)
        pltpu.async_copy(x_hbm.at[idx0.at[0]], rows0, sem0)
        pltpu.async_copy(x_hbm.at[idx1.at[0]], rows1, sem1)
        plsc.subcore_barrier()

        @pl.loop(0, NWIN, step=2)
        def _(w):
            pltpu.make_async_copy(x_hbm.at[idx0.at[0]], rows0, sem0).wait()
            pltpu.sync_copy(rows0, acc.at[idx0.at[1]], add=True)
            pltpu.async_copy(idx_hbm.at[wid, w + 2], idx0, isem0)
            pltpu.make_async_copy(x_hbm.at[idx1.at[0]], rows1, sem1).wait()
            pltpu.sync_copy(rows1, acc.at[idx1.at[1]], add=True)
            pltpu.async_copy(idx_hbm.at[wid, w + 3], idx1, isem1)
            pltpu.make_async_copy(idx_hbm.at[wid, 0], idx0, isem0).wait()
            pltpu.async_copy(x_hbm.at[idx0.at[0]], rows0, sem0)
            pltpu.make_async_copy(idx_hbm.at[wid, 0], idx1, isem1).wait()
            pltpu.async_copy(x_hbm.at[idx1.at[0]], rows1, sem1)

        pltpu.make_async_copy(x_hbm.at[idx0.at[0]], rows0, sem0).wait()
        pltpu.make_async_copy(x_hbm.at[idx1.at[0]], rows1, sem1).wait()
        plsc.subcore_barrier()

        pltpu.sync_copy(acc.at[pl.ds(r0, RPT)], agg_out.at[c].at[pl.ds(r0, RPT)])

    return pl.kernel(body, out_type=out, mesh=mesh, scratch_types=scratch)


def _sc_cnt_kernel():
    mesh = plsc.VectorSubcoreMesh(core_axis_name="c", subcore_axis_name="s")
    out = jax.ShapeDtypeStruct((NC, N_PAD, D), jnp.float32)
    scratch = [
        pltpu.VMEM_SHARED((N_PAD, D), jnp.float32),
        pltpu.VMEM((CH, 2, WINC), jnp.int32),
        pltpu.VMEM((CH, 2, WINC), jnp.int32),
        pltpu.VMEM((WINC, D), jnp.float32),
        pltpu.SemaphoreType.DMA,
        pltpu.SemaphoreType.DMA,
    ]

    def body(idx_hbm, zrow_hbm, cnt_out, acc, icba, icbb, ones, isema, isemb):
        c = lax.axis_index("c")
        s = lax.axis_index("s")
        wid = c * NS + s
        r0 = s * RPT

        pltpu.sync_copy(zrow_hbm.at[pl.ds(r0, RPT)], acc.at[pl.ds(r0, RPT)])

        @pl.loop(0, WINC)
        def _(i):
            @pl.loop(0, D, step=16)
            def _(j):
                ones[i, pl.ds(j, 16)] = jnp.full((16,), 1.0, jnp.float32)

        pltpu.sync_copy(idx_hbm.at[wid, 0], icba)
        pltpu.async_copy(idx_hbm.at[wid, 1], icbb, isemb)
        plsc.subcore_barrier()

        @pl.loop(0, NITERC)
        def _(k):
            ca = 2 * k
            pltpu.sync_copy(ones, acc.at[icba.at[0, 1]], add=True)
            pltpu.sync_copy(ones, acc.at[icba.at[1, 1]], add=True)
            pltpu.sync_copy(ones, acc.at[icba.at[2, 1]], add=True)
            pltpu.sync_copy(ones, acc.at[icba.at[3, 1]], add=True)
            pltpu.async_copy(idx_hbm.at[wid, ca + 2], icba, isema)
            pltpu.make_async_copy(idx_hbm.at[wid, 0], icbb, isemb).wait()
            pltpu.sync_copy(ones, acc.at[icbb.at[0, 1]], add=True)
            pltpu.sync_copy(ones, acc.at[icbb.at[1, 1]], add=True)
            pltpu.sync_copy(ones, acc.at[icbb.at[2, 1]], add=True)
            pltpu.sync_copy(ones, acc.at[icbb.at[3, 1]], add=True)
            pltpu.async_copy(idx_hbm.at[wid, ca + 3], icbb, isemb)
            pltpu.make_async_copy(idx_hbm.at[wid, 0], icba, isema).wait()

        pltpu.make_async_copy(idx_hbm.at[wid, 0], icbb, isemb).wait()
        plsc.subcore_barrier()
        pltpu.sync_copy(acc.at[pl.ds(r0, RPT)], cnt_out.at[c].at[pl.ds(r0, RPT)])

    return pl.kernel(body, out_type=out, mesh=mesh, scratch_types=scratch)


_sc_agg = _sc_agg_kernel()
_sc_cnt = _sc_cnt_kernel()


def _dotT(a, w):
    return lax.dot_general(a, w, (((1,), (1,)), ((), ())),
                           preferred_element_type=jnp.float32)


def _tc_layer1(p, cc, x, wl, b, wr, h_out):
    cnt = jnp.maximum(cc[0][:, 0:1] + cc[1][:, 0:1], 1.0)
    agg = (p[0] + p[1]) / cnt
    h = _dotT(agg, wl[...]) + _dotT(x[...], wr[...]) + b[...]
    h_out[...] = jnp.maximum(h, 0.0)


def _tc_layer2(p, cc, h1, wl, b, wr, wc, bc, o_out):
    cnt = jnp.maximum(cc[0][:, 0:1] + cc[1][:, 0:1], 1.0)
    agg = (p[0] + p[1]) / cnt
    h = _dotT(agg, wl[...]) + _dotT(h1[...], wr[...]) + b[...]
    h = jnp.maximum(h, 0.0)
    logit = jnp.sum(h * wc[...], axis=1, keepdims=True) + bc[...]
    o_out[...] = jax.nn.sigmoid(logit)


_BLK = 1000
_GRID = N // _BLK


def _rows(i):
    return (i, 0)


_p_spec = pl.BlockSpec((2, _BLK, D), lambda i: (0, i, 0))
_x_spec = pl.BlockSpec((_BLK, D), _rows)
_w_spec = pl.BlockSpec((D, D), lambda i: (0, 0))
_b_spec = pl.BlockSpec((1, D), lambda i: (0, 0))
_s_spec = pl.BlockSpec((1, 1), lambda i: (0, 0))

_tc1 = pl.pallas_call(
    _tc_layer1,
    grid=(_GRID,),
    in_specs=[_p_spec, _p_spec, _x_spec, _w_spec, _b_spec, _w_spec],
    out_specs=_x_spec,
    out_shape=jax.ShapeDtypeStruct((N, D), jnp.float32),
)

_tc2 = pl.pallas_call(
    _tc_layer2,
    grid=(_GRID,),
    in_specs=[_p_spec, _p_spec, _x_spec, _w_spec, _b_spec, _w_spec,
              _b_spec, _s_spec],
    out_specs=pl.BlockSpec((_BLK, 1), _rows),
    out_shape=jax.ShapeDtypeStruct((N, 1), jnp.float32),
)


def kernel(x, edge_index, W1l, b1, W1r, W2l, b2, W2r, Wc, bc):
    src = edge_index[0].reshape(NW, EPW)
    dst = edge_index[1].reshape(NW, EPW)

    pad = WALLOC * WIN - EPW
    srcf = jnp.concatenate([src, jnp.zeros((NW, pad), jnp.int32)], axis=1)
    dstf = jnp.concatenate([dst, jnp.full((NW, pad), DUMP, jnp.int32)], axis=1)
    idxf = jnp.stack([srcf.reshape(NW, WALLOC, WIN),
                      dstf.reshape(NW, WALLOC, WIN)], axis=2)

    padc = NCHUNKC * CH * WINC - EPW
    srcc = jnp.concatenate([src, jnp.zeros((NW, padc), jnp.int32)], axis=1)
    dstc = jnp.concatenate([dst, jnp.full((NW, padc), DUMP, jnp.int32)], axis=1)
    idxc = jnp.concatenate([srcc.reshape(NW, NCHUNKC, CH, 1, WINC),
                            dstc.reshape(NW, NCHUNKC, CH, 1, WINC)], axis=3)

    zrow = jnp.zeros((N_PAD, D), jnp.float32)

    cnt = _sc_cnt(idxc, zrow)
    p1 = _sc_agg(x, idxf, zrow)
    h1 = _tc1(p1, cnt, x, W1l, b1.reshape(1, D), W1r)
    p2 = _sc_agg(h1, idxf, zrow)
    out = _tc2(p2, cnt, h1, W2l, b2.reshape(1, D), W2r,
               Wc.reshape(1, D), bc.reshape(1, 1))
    return out

# --- scband reference (transcript-rebuilt; emitter-appended) ---
"""Pipeline reference for scband-graph-sageanomaly-detector-18124761989926 (READ-ONLY COPY).

The authoritative reference and input builder live on the scoring server;
editing this copy changes nothing except your own understanding.
"""

import jax, jax.numpy as jnp
import numpy as np

N = 10000
E = 320000
D_IN = 128
D_H = 128
D_OUT = 1


def setup_inputs(seed: int = 0) -> dict:
    key = jax.random.key(seed)
    ks = jax.random.split(key, 12)
    x = jax.random.normal(ks[0], (N, D_IN), dtype=jnp.float32)
    edge_index = jax.random.randint(ks[1], (2, E), 0, N, dtype=jnp.int32)
    s_in = 1.0 / np.sqrt(D_IN)
    s_h = 1.0 / np.sqrt(D_H)
    W1l = jax.random.uniform(ks[2], (D_H, D_IN), jnp.float32, -s_in, s_in)
    b1 = jax.random.uniform(ks[3], (D_H,), jnp.float32, -s_in, s_in)
    W1r = jax.random.uniform(ks[4], (D_H, D_IN), jnp.float32, -s_in, s_in)
    W2l = jax.random.uniform(ks[5], (D_H, D_H), jnp.float32, -s_h, s_h)
    b2 = jax.random.uniform(ks[6], (D_H,), jnp.float32, -s_h, s_h)
    W2r = jax.random.uniform(ks[7], (D_H, D_H), jnp.float32, -s_h, s_h)
    Wc = jax.random.uniform(ks[8], (D_OUT, D_H), jnp.float32, -s_h, s_h)
    bc = jax.random.uniform(ks[9], (D_OUT,), jnp.float32, -s_h, s_h)
    return {"x": x, "edge_index": edge_index, "W1l": W1l, "b1": b1, "W1r": W1r,
            "W2l": W2l, "b2": b2, "W2r": W2r, "Wc": Wc, "bc": bc}


def sage_conv(x, edge_index, Wl, b, Wr):
    # PyG SAGEConv (mean aggregation): out = lin_l(mean_{j in N(i)} x_j) + lin_r(x_i)
    src = edge_index[0]
    dst = edge_index[1]
    msgs = jnp.take(x, src, axis=0)                      # gather (SparseCore)
    agg = jax.ops.segment_sum(msgs, dst, num_segments=N)  # scatter-add
    cnt = jax.ops.segment_sum(jnp.ones((msgs.shape[0], 1), jnp.float32), dst, num_segments=N)
    agg = agg / jnp.maximum(cnt, 1.0)
    return agg @ Wl.T + b + x @ Wr.T


def reference(x, edge_index, W1l, b1, W1r, W2l, b2, W2r, Wc, bc):
    h = jax.nn.relu(sage_conv(x, edge_index, W1l, b1, W1r))
    # dropout p=0.2 is identity in eval mode
    h = jax.nn.relu(sage_conv(h, edge_index, W2l, b2, W2r))
    out = h @ Wc.T + bc
    return jax.nn.sigmoid(out)

if __name__ == "__main__":
    import jax
    _d = setup_inputs()
    print(jax.jit(kernel)(*tuple(_d.values())))

</pallas_src>

<mosaic_0001>
#map = affine_map<(d0, d1) -> (0, 0)>
#map1 = affine_map<(d0, d1) -> (0, 0, 0, 0)>
#map2 = affine_map<(d0, d1) -> (0, 0, 0)>
module attributes {stable_mosaic.version = 14 : i64} {
  func.func @body(%arg0: i32, %arg1: i32, %arg2: memref<10000x128xf32, #tpu.memory_space<hbm>>, %arg3: memref<32x108x2x96xi32, #tpu.memory_space<hbm>>, %arg4: memref<10112x128xf32, #tpu.memory_space<hbm>>, %arg5: memref<2x10112x128xf32, #tpu.memory_space<hbm>>, %arg6: memref<10112x128xf32, #tpu.memory_space<vmem_shared>>, %arg7: memref<2x96xi32, #tpu.memory_space<vmem>>, %arg8: memref<2x96xi32, #tpu.memory_space<vmem>>, %arg9: memref<96x128xf32, #tpu.memory_space<vmem>>, %arg10: memref<96x128xf32, #tpu.memory_space<vmem>>, %arg11: memref<!tpu.dma_semaphore, #tpu.memory_space<semaphore_mem>>, %arg12: memref<!tpu.dma_semaphore, #tpu.memory_space<semaphore_mem>>, %arg13: memref<!tpu.dma_semaphore, #tpu.memory_space<semaphore_mem>>, %arg14: memref<!tpu.dma_semaphore, #tpu.memory_space<semaphore_mem>>) attributes {dimension_semantics = [#tpu.dimension_semantics<core_parallel>, #tpu.dimension_semantics<subcore_parallel>], iteration_bounds = array<i64: 2, 16>, scalar_prefetch = 0 : i64, scratch_operands = 9 : i64, tpu.core_type = #tpu.core_type<sc_vector_subcore>, window_params = [{transform_indices = #map}, {transform_indices = #map1}, {transform_indices = #map}, {transform_indices = #map2}]} {
    %mul3A = arith.constant 16 : i32
    %mul3A_0 = arith.muli %arg0, %mul3A : i32
    %add3A = arith.addi %mul3A_0, %arg1 : i32
    %mul3A_1 = arith.constant 632 : i32
    %mul3A_2 = arith.muli %arg1, %mul3A_1 : i32
    "tpu.region"() ({
      %run_scoped3A_35 = tpu.sem_alloc : memref<!tpu.dma_semaphore, #tpu.memory_space<semaphore_mem>>
      %dma_start3A_36 = arith.constant 0 : i32
      %dma_start3A_37 = tpu.memref_slice %arg6[%mul3A_2, %dma_start3A_36] : memref<10112x128xf32, #tpu.memory_space<vmem_shared>> -> memref<632x128xf32, #tpu.memory_space<vmem_shared>>
      %dma_start3A_38 = arith.constant 0 : i32
      %dma_start3A_39 = tpu.memref_slice %arg4[%mul3A_2, %dma_start3A_38] : memref<10112x128xf32, #tpu.memory_space<hbm>> -> memref<632x128xf32, #tpu.memory_space<hbm>>
      tpu.enqueue_dma source(%dma_start3A_39 : memref<632x128xf32, #tpu.memory_space<hbm>>) target(%dma_start3A_37 : memref<632x128xf32, #tpu.memory_space<vmem_shared>>) target_semaphore(%run_scoped3A_35 : memref<!tpu.dma_semaphore, #tpu.memory_space<semaphore_mem>>)
      %dma_wait3A_40 = arith.constant 0 : i32
      %dma_wait3A_41 = tpu.memref_slice %arg6[%mul3A_2, %dma_wait3A_40] : memref<10112x128xf32, #tpu.memory_space<vmem_shared>> -> memref<632x128xf32, #tpu.memory_space<vmem_shared>>
      %dma_wait3A_42 = arith.constant 0 : i32
      %dma_wait3A_43 = tpu.memref_slice %arg4[%mul3A_2, %dma_wait3A_42] : memref<10112x128xf32, #tpu.memory_space<hbm>> -> memref<632x128xf32, #tpu.memory_space<hbm>>
      tpu.wait_dma2 semaphore(%run_scoped3A_35 : memref<!tpu.dma_semaphore, #tpu.memory_space<semaphore_mem>>) src(%dma_wait3A_43 : memref<632x128xf32, #tpu.memory_space<hbm>>) dst(%dma_wait3A_41 : memref<632x128xf32, #tpu.memory_space<vmem_shared>>)
      tpu.yield
    }) : () -> ()
    %run_scoped3A = arith.constant 0 : i32
    "tpu.region"() ({
      %run_scoped3A_35 = tpu.sem_alloc : memref<!tpu.dma_semaphore, #tpu.memory_space<semaphore_mem>>
      %dma_start3A_36 = arith.constant 0 : i32
      %dma_start3A_37 = arith.constant 0 : i32
      %dma_start3A_38 = tpu.memref_slice %arg3[%add3A, %run_scoped3A, %dma_start3A_36, %dma_start3A_37] : memref<32x108x2x96xi32, #tpu.memory_space<hbm>> -> memref<1x1x2x96xi32, #tpu.memory_space<hbm>>
      %dma_start3A_39 = tpu.memref_squeeze %dma_start3A_38 : memref<1x1x2x96xi32, #tpu.memory_space<hbm>> -> memref<2x96xi32, #tpu.memory_space<hbm>>
      %dma_start3A_40 = arith.constant 0 : i32
      %dma_start3A_41 = arith.constant 0 : i32
      %dma_start3A_42 = tpu.memref_slice %arg3[%add3A, %run_scoped3A, %dma_start3A_40, %dma_start3A_41] : memref<32x108x2x96xi32, #tpu.memory_space<hbm>> -> memref<1x1x2x96xi32, #tpu.memory_space<hbm>>
      %dma_start3A_43 = tpu.memref_squeeze %dma_start3A_42 : memref<1x1x2x96xi32, #tpu.memory_space<hbm>> -> memref<2x96xi32, #tpu.memory_space<hbm>>
      tpu.enqueue_dma source(%dma_start3A_43 : memref<2x96xi32, #tpu.memory_space<hbm>>) target(%arg7 : memref<2x96xi32, #tpu.memory_space<vmem>>) target_semaphore(%run_scoped3A_35 : memref<!tpu.dma_semaphore, #tpu.memory_space<semaphore_mem>>)
      %dma_wait3A_44 = arith.constant 0 : i32
      %dma_wait3A_45 = arith.constant 0 : i32
      %dma_wait3A_46 = tpu.memref_slice %arg3[%add3A, %run_scoped3A, %dma_wait3A_44, %dma_wait3A_45] : memref<32x108x2x96xi32, #tpu.memory_space<hbm>> -> memref<1x1x2x96xi32, #tpu.memory_space<hbm>>
      %dma_wait3A_47 = tpu.memref_squeeze %dma_wait3A_46 : memref<1x1x2x96xi32, #tpu.memory_space<hbm>> -> memref<2x96xi32, #tpu.memory_space<hbm>>
      %dma_wait3A_48 = arith.constant 0 : i32
      %dma_wait3A_49 = arith.constant 0 : i32
      %dma_wait3A_50 = tpu.memref_slice %arg3[%add3A, %run_scoped3A, %dma_wait3A_48, %dma_wait3A_49] : memref<32x108x2x96xi32, #tpu.memory_space<hbm>> -> memref<1x1x2x96xi32, #tpu.memory_space<hbm>>
      %dma_wait3A_51 = tpu.memref_squeeze %dma_wait3A_50 : memref<1x1x2x96xi32, #tpu.memory_space<hbm>> -> memref<2x96xi32, #tpu.memory_space<hbm>>
      tpu.wait_dma2 semaphore(%run_scoped3A_35 : memref<!tpu.dma_semaphore, #tpu.memory_space<semaphore_mem>>) src(%dma_wait3A_51 : memref<2x96xi32, #tpu.memory_space<hbm>>) dst(%arg7 : memref<2x96xi32, #tpu.memory_space<vmem>>)
      tpu.yield
    }) : () -> ()
    %run_scoped3A_3 = arith.constant 1 : i32
    "tpu.region"() ({
      %run_scoped3A_35 = tpu.sem_alloc : memref<!tpu.dma_semaphore, #tpu.memory_space<semaphore_mem>>
      %dma_start3A_36 = arith.constant 0 : i32
      %dma_start3A_37 = arith.constant 0 : i32
      %dma_start3A_38 = tpu.memref_slice %arg3[%add3A, %run_scoped3A_3, %dma_start3A_36, %dma_start3A_37] : memref<32x108x2x96xi32, #tpu.memory_space<hbm>> -> memref<1x1x2x96xi32, #tpu.memory_space<hbm>>
      %dma_start3A_39 = tpu.memref_squeeze %dma_start3A_38 : memref<1x1x2x96xi32, #tpu.memory_space<hbm>> -> memref<2x96xi32, #tpu.memory_space<hbm>>
      %dma_start3A_40 = arith.constant 0 : i32
      %dma_start3A_41 = arith.constant 0 : i32
      %dma_start3A_42 = tpu.memref_slice %arg3[%add3A, %run_scoped3A_3, %dma_start3A_40, %dma_start3A_41] : memref<32x108x2x96xi32, #tpu.memory_space<hbm>> -> memref<1x1x2x96xi32, #tpu.memory_space<hbm>>
      %dma_start3A_43 = tpu.memref_squeeze %dma_start3A_42 : memref<1x1x2x96xi32, #tpu.memory_space<hbm>> -> memref<2x96xi32, #tpu.memory_space<hbm>>
      tpu.enqueue_dma source(%dma_start3A_43 : memref<2x96xi32, #tpu.memory_space<hbm>>) target(%arg8 : memref<2x96xi32, #tpu.memory_space<vmem>>) target_semaphore(%run_scoped3A_35 : memref<!tpu.dma_semaphore, #tpu.memory_space<semaphore_mem>>)
      %dma_wait3A_44 = arith.constant 0 : i32
      %dma_wait3A_45 = arith.constant 0 : i32
      %dma_wait3A_46 = tpu.memref_slice %arg3[%add3A, %run_scoped3A_3, %dma_wait3A_44, %dma_wait3A_45] : memref<32x108x2x96xi32, #tpu.memory_space<hbm>> -> memref<1x1x2x96xi32, #tpu.memory_space<hbm>>
      %dma_wait3A_47 = tpu.memref_squeeze %dma_wait3A_46 : memref<1x1x2x96xi32, #tpu.memory_space<hbm>> -> memref<2x96xi32, #tpu.memory_space<hbm>>
      %dma_wait3A_48 = arith.constant 0 : i32
      %dma_wait3A_49 = arith.constant 0 : i32
      %dma_wait3A_50 = tpu.memref_slice %arg3[%add3A, %run_scoped3A_3, %dma_wait3A_48, %dma_wait3A_49] : memref<32x108x2x96xi32, #tpu.memory_space<hbm>> -> memref<1x1x2x96xi32, #tpu.memory_space<hbm>>
      %dma_wait3A_51 = tpu.memref_squeeze %dma_wait3A_50 : memref<1x1x2x96xi32, #tpu.memory_space<hbm>> -> memref<2x96xi32, #tpu.memory_space<hbm>>
      tpu.wait_dma2 semaphore(%run_scoped3A_35 : memref<!tpu.dma_semaphore, #tpu.memory_space<semaphore_mem>>) src(%dma_wait3A_51 : memref<2x96xi32, #tpu.memory_space<hbm>>) dst(%arg8 : memref<2x96xi32, #tpu.memory_space<vmem>>)
      tpu.yield
    }) : () -> ()
    %dma_start3A = arith.constant 0 : i32
    %dma_start3A_4 = arith.constant 0 : i32
    %dma_start3A_5 = tpu.memref_slice %arg7[%dma_start3A, %dma_start3A_4] : memref<2x96xi32, #tpu.memory_space<vmem>> -> memref<1x96xi32, #tpu.memory_space<vmem>>
    %dma_start3A_6 = tpu.memref_squeeze %dma_start3A_5 : memref<1x96xi32, #tpu.memory_space<vmem>> -> memref<96xi32, #tpu.memory_space<vmem>>
    %dma_start3A_7 = arith.constant 0 : i32
    %dma_start3A_8 = arith.constant 0 : i32
    %dma_start3A_9 = tpu.memref_slice %arg2[%dma_start3A_7, %dma_start3A_8] : memref<10000x128xf32, #tpu.memory_space<hbm>> -> memref<10000x128xf32, #tpu.memory_space<hbm>>
    tpu.enqueue_indirect_dma source(%dma_start3A_9 : memref<10000x128xf32, #tpu.memory_space<hbm>>) target(%arg9 : memref<96x128xf32, #tpu.memory_space<vmem>>) offsets(%dma_start3A_6 : memref<96xi32, #tpu.memory_space<vmem>>) semaphore(%arg11 : memref<!tpu.dma_semaphore, #tpu.memory_space<semaphore_mem>>)
    %dma_start3A_10 = arith.constant 0 : i32
    %dma_start3A_11 = arith.constant 0 : i32
    %dma_start3A_12 = tpu.memref_slice %arg8[%dma_start3A_10, %dma_start3A_11] : memref<2x96xi32, #tpu.memory_space<vmem>> -> memref<1x96xi32, #tpu.memory_space<vmem>>
    %dma_start3A_13 = tpu.memref_squeeze %dma_start3A_12 : memref<1x96xi32, #tpu.memory_space<vmem>> -> memref<96xi32, #tpu.memory_space<vmem>>
    %dma_start3A_14 = arith.constant 0 : i32
    %dma_start3A_15 = arith.constant 0 : i32
    %dma_start3A_16 = tpu.memref_slice %arg2[%dma_start3A_14, %dma_start3A_15] : memref<10000x128xf32, #tpu.memory_space<hbm>> -> memref<10000x128xf32, #tpu.memory_space<hbm>>
    tpu.enqueue_indirect_dma source(%dma_start3A_16 : memref<10000x128xf32, #tpu.memory_space<hbm>>) target(%arg10 : memref<96x128xf32, #tpu.memory_space<vmem>>) offsets(%dma_start3A_13 : memref<96xi32, #tpu.memory_space<vmem>>) semaphore(%arg12 : memref<!tpu.dma_semaphore, #tpu.memory_space<semaphore_mem>>)
    %barrier3A = arith.constant 0 : index
    tpu.barrier barrier_id(%barrier3A)
    %scan3A = arith.constant 0 : i32
    %scan3A_17 = arith.constant 53 : i32
    %scan3A_18 = arith.addi %scan3A, %scan3A_17 : i32
    %scan3A_19 = arith.constant 1 : i32
    scf.for %scan3A_35 = %scan3A to %scan3A_18 step %scan3A_19  : i32 {
      %mul3A_36 = arith.constant 2 : i32
      %mul3A_37 = arith.muli %scan3A_35, %mul3A_36 : i32
      %add3A_38 = arith.constant 0 : i32
      %add3A_39 = arith.addi %add3A_38, %mul3A_37 : i32
      %dma_wait3A_40 = arith.constant 0 : i32
      %dma_wait3A_41 = arith.constant 0 : i32
      %dma_wait3A_42 = tpu.memref_slice %arg7[%dma_wait3A_40, %dma_wait3A_41] : memref<2x96xi32, #tpu.memory_space<vmem>> -> memref<1x96xi32, #tpu.memory_space<vmem>>
      %dma_wait3A_43 = tpu.memref_squeeze %dma_wait3A_42 : memref<1x96xi32, #tpu.memory_space<vmem>> -> memref<96xi32, #tpu.memory_space<vmem>>
      %dma_wait3A_44 = arith.constant 0 : i32
      %dma_wait3A_45 = arith.constant 0 : i32
      %dma_wait3A_46 = tpu.memref_slice %arg2[%dma_wait3A_44, %dma_wait3A_45] : memref<10000x128xf32, #tpu.memory_space<hbm>> -> memref<10000x128xf32, #tpu.memory_space<hbm>>
      tpu.wait_indirect_dma semaphore(%arg11 : memref<!tpu.dma_semaphore, #tpu.memory_space<semaphore_mem>>) src(%dma_wait3A_46 : memref<10000x128xf32, #tpu.memory_space<hbm>>) dst(%arg9 : memref<96x128xf32, #tpu.memory_space<vmem>>)
      %run_scoped3A_47 = arith.constant 1 : i32
      "tpu.region"() ({
        %run_scoped3A_108 = tpu.sem_alloc : memref<!tpu.dma_semaphore, #tpu.memory_space<semaphore_mem>>
        %dma_start3A_109 = arith.constant 0 : i32
        %dma_start3A_110 = tpu.memref_slice %arg7[%run_scoped3A_47, %dma_start3A_109] : memref<2x96xi32, #tpu.memory_space<vmem>> -> memref<1x96xi32, #tpu.memory_space<vmem>>
        %dma_start3A_111 = tpu.memref_squeeze %dma_start3A_110 : memref<1x96xi32, #tpu.memory_space<vmem>> -> memref<96xi32, #tpu.memory_space<vmem>>
        %dma_start3A_112 = arith.constant 0 : i32
        %dma_start3A_113 = arith.constant 0 : i32
        %dma_start3A_114 = tpu.memref_slice %arg6[%dma_start3A_112, %dma_start3A_113] : memref<10112x128xf32, #tpu.memory_space<vmem_shared>> -> memref<10112x128xf32, #tpu.memory_space<vmem_shared>>
        tpu.enqueue_indirect_dma source(%arg9 : memref<96x128xf32, #tpu.memory_space<vmem>>) target(%dma_start3A_114 : memref<10112x128xf32, #tpu.memory_space<vmem_shared>>) offsets(%dma_start3A_111 : memref<96xi32, #tpu.memory_space<vmem>>) semaphore(%run_scoped3A_108 : memref<!tpu.dma_semaphore, #tpu.memory_space<semaphore_mem>>) {add = true}
        %dma_wait3A_115 = arith.constant 0 : i32
        %dma_wait3A_116 = tpu.memref_slice %arg7[%run_scoped3A_47, %dma_wait3A_115] : memref<2x96xi32, #tpu.memory_space<vmem>> -> memref<1x96xi32, #tpu.memory_space<vmem>>
        %dma_wait3A_117 = tpu.memref_squeeze %dma_wait3A_116 : memref<1x96xi32, #tpu.memory_space<vmem>> -> memref<96xi32, #tpu.memory_space<vmem>>
        %dma_wait3A_118 = arith.constant 0 : i32
        %dma_wait3A_119 = arith.constant 0 : i32
        %dma_wait3A_120 = tpu.memref_slice %arg6[%dma_wait3A_118, %dma_wait3A_119] : memref<10112x128xf32, #tpu.memory_space<vmem_shared>> -> memref<10112x128xf32, #tpu.memory_space<vmem_shared>>
        tpu.wait_indirect_dma semaphore(%run_scoped3A_108 : memref<!tpu.dma_semaphore, #tpu.memory_space<semaphore_mem>>) src(%arg9 : memref<96x128xf32, #tpu.memory_space<vmem>>) dst(%dma_wait3A_120 : memref<10112x128xf32, #tpu.memory_space<vmem_shared>>)
        tpu.yield
      }) : () -> ()
      %add3A_48 = arith.constant 2 : i32
      %add3A_49 = arith.addi %add3A_39, %add3A_48 : i32
      %dma_start3A_50 = arith.constant 0 : i32
      %dma_start3A_51 = arith.constant 0 : i32
      %dma_start3A_52 = tpu.memref_slice %arg3[%add3A, %add3A_49, %dma_start3A_50, %dma_start3A_51] : memref<32x108x2x96xi32, #tpu.memory_space<hbm>> -> memref<1x1x2x96xi32, #tpu.memory_space<hbm>>
      %dma_start3A_53 = tpu.memref_squeeze %dma_start3A_52 : memref<1x1x2x96xi32, #tpu.memory_space<hbm>> -> memref<2x96xi32, #tpu.memory_space<hbm>>
      %dma_start3A_54 = arith.constant 0 : i32
      %dma_start3A_55 = arith.constant 0 : i32
      %dma_start3A_56 = tpu.memref_slice %arg3[%add3A, %add3A_49, %dma_start3A_54, %dma_start3A_55] : memref<32x108x2x96xi32, #tpu.memory_space<hbm>> -> memref<1x1x2x96xi32, #tpu.memory_space<hbm>>
      %dma_start3A_57 = tpu.memref_squeeze %dma_start3A_56 : memref<1x1x2x96xi32, #tpu.memory_space<hbm>> -> memref<2x96xi32, #tpu.memory_space<hbm>>
      tpu.enqueue_dma source(%dma_start3A_57 : memref<2x96xi32, #tpu.memory_space<hbm>>) target(%arg7 : memref<2x96xi32, #tpu.memory_space<vmem>>) target_semaphore(%arg13 : memref<!tpu.dma_semaphore, #tpu.memory_space<semaphore_mem>>)
      %dma_wait3A_58 = arith.constant 0 : i32
      %dma_wait3A_59 = arith.constant 0 : i32
      %dma_wait3A_60 = tpu.memref_slice %arg8[%dma_wait3A_58, %dma_wait3A_59] : memref<2x96xi32, #tpu.memory_space<vmem>> -> memref<1x96xi32, #tpu.memory_space<vmem>>
      %dma_wait3A_61 = tpu.memref_squeeze %dma_wait3A_60 : memref<1x96xi32, #tpu.memory_space<vmem>> -> memref<96xi32, #tpu.memory_space<vmem>>
      %dma_wait3A_62 = arith.constant 0 : i32
      %dma_wait3A_63 = arith.constant 0 : i32
      %dma_wait3A_64 = tpu.memref_slice %arg2[%dma_wait3A_62, %dma_wait3A_63] : memref<10000x128xf32, #tpu.memory_space<hbm>> -> memref<10000x128xf32, #tpu.memory_space<hbm>>
      tpu.wait_indirect_dma semaphore(%arg12 : memref<!tpu.dma_semaphore, #tpu.memory_space<semaphore_mem>>) src(%dma_wait3A_64 : memref<10000x128xf32, #tpu.memory_space<hbm>>) dst(%arg10 : memref<96x128xf32, #tpu.memory_space<vmem>>)
      %run_scoped3A_65 = arith.constant 1 : i32
      "tpu.region"() ({
        %run_scoped3A_108 = tpu.sem_alloc : memref<!tpu.dma_semaphore, #tpu.memory_space<semaphore_mem>>
        %dma_start3A_109 = arith.constant 0 : i32
        %dma_start3A_110 = tpu.memref_slice %arg8[%run_scoped3A_65, %dma_start3A_109] : memref<2x96xi32, #tpu.memory_space<vmem>> -> memref<1x96xi32, #tpu.memory_space<vmem>>
        %dma_start3A_111 = tpu.memref_squeeze %dma_start3A_110 : memref<1x96xi32, #tpu.memory_space<vmem>> -> memref<96xi32, #tpu.memory_space<vmem>>
        %dma_start3A_112 = arith.constant 0 : i32
        %dma_start3A_113 = arith.constant 0 : i32
        %dma_start3A_114 = tpu.memref_slice %arg6[%dma_start3A_112, %dma_start3A_113] : memref<10112x128xf32, #tpu.memory_space<vmem_shared>> -> memref<10112x128xf32, #tpu.memory_space<vmem_shared>>
        tpu.enqueue_indirect_dma source(%arg10 : memref<96x128xf32, #tpu.memory_space<vmem>>) target(%dma_start3A_114 : memref<10112x128xf32, #tpu.memory_space<vmem_shared>>) offsets(%dma_start3A_111 : memref<96xi32, #tpu.memory_space<vmem>>) semaphore(%run_scoped3A_108 : memref<!tpu.dma_semaphore, #tpu.memory_space<semaphore_mem>>) {add = true}
        %dma_wait3A_115 = arith.constant 0 : i32
        %dma_wait3A_116 = tpu.memref_slice %arg8[%run_scoped3A_65, %dma_wait3A_115] : memref<2x96xi32, #tpu.memory_space<vmem>> -> memref<1x96xi32, #tpu.memory_space<vmem>>
        %dma_wait3A_117 = tpu.memref_squeeze %dma_wait3A_116 : memref<1x96xi32, #tpu.memory_space<vmem>> -> memref<96xi32, #tpu.memory_space<vmem>>
        %dma_wait3A_118 = arith.constant 0 : i32
        %dma_wait3A_119 = arith.constant 0 : i32
        %dma_wait3A_120 = tpu.memref_slice %arg6[%dma_wait3A_118, %dma_wait3A_119] : memref<10112x128xf32, #tpu.memory_space<vmem_shared>> -> memref<10112x128xf32, #tpu.memory_space<vmem_shared>>
        tpu.wait_indirect_dma semaphore(%run_scoped3A_108 : memref<!tpu.dma_semaphore, #tpu.memory_space<semaphore_mem>>) src(%arg10 : memref<96x128xf32, #tpu.memory_space<vmem>>) dst(%dma_wait3A_120 : memref<10112x128xf32, #tpu.memory_space<vmem_shared>>)
        tpu.yield
      }) : () -> ()
      %add3A_66 = arith.constant 3 : i32
      %add3A_67 = arith.addi %add3A_39, %add3A_66 : i32
      %dma_start3A_68 = arith.constant 0 : i32
      %dma_start3A_69 = arith.constant 0 : i32
      %dma_start3A_70 = tpu.memref_slice %arg3[%add3A, %add3A_67, %dma_start3A_68, %dma_start3A_69] : memref<32x108x2x96xi32, #tpu.memory_space<hbm>> -> memref<1x1x2x96xi32, #tpu.memory_space<hbm>>
      %dma_start3A_71 = tpu.memref_squeeze %dma_start3A_70 : memref<1x1x2x96xi32, #tpu.memory_space<hbm>> -> memref<2x96xi32, #tpu.memory_space<hbm>>
      %dma_start3A_72 = arith.constant 0 : i32
      %dma_start3A_73 = arith.constant 0 : i32
      %dma_start3A_74 = tpu.memref_slice %arg3[%add3A, %add3A_67, %dma_start3A_72, %dma_start3A_73] : memref<32x108x2x96xi32, #tpu.memory_space<hbm>> -> memref<1x1x2x96xi32, #tpu.memory_space<hbm>>
      %dma_start3A_75 = tpu.memref_squeeze %dma_start3A_74 : memref<1x1x2x96xi32, #tpu.memory_space<hbm>> -> memref<2x96xi32, #tpu.memory_space<hbm>>
      tpu.enqueue_dma source(%dma_start3A_75 : memref<2x96xi32, #tpu.memory_space<hbm>>) target(%arg8 : memref<2x96xi32, #tpu.memory_space<vmem>>) target_semaphore(%arg14 : memref<!tpu.dma_semaphore, #tpu.memory_space<semaphore_mem>>)
      %dma_wait3A_76 = arith.constant 0 : i32
      %dma_wait3A_77 = arith.constant 0 : i32
      %dma_wait3A_78 = arith.constant 0 : i32
      %dma_wait3A_79 = tpu.memref_slice %arg3[%add3A, %dma_wait3A_76, %dma_wait3A_77, %dma_wait3A_78] : memref<32x108x2x96xi32, #tpu.memory_space<hbm>> -> memref<1x1x2x96xi32, #tpu.memory_space<hbm>>
      %dma_wait3A_80 = tpu.memref_squeeze %dma_wait3A_79 : memref<1x1x2x96xi32, #tpu.memory_space<hbm>> -> memref<2x96xi32, #tpu.memory_space<hbm>>
      %dma_wait3A_81 = arith.constant 0 : i32
      %dma_wait3A_82 = arith.constant 0 : i32
      %dma_wait3A_83 = tpu.memref_slice %arg3[%add3A, %dma_wait3A_76, %dma_wait3A_81, %dma_wait3A_82] : memref<32x108x2x96xi32, #tpu.memory_space<hbm>> -> memref<1x1x2x96xi32, #tpu.memory_space<hbm>>
      %dma_wait3A_84 = tpu.memref_squeeze %dma_wait3A_83 : memref<1x1x2x96xi32, #tpu.memory_space<hbm>> -> memref<2x96xi32, #tpu.memory_space<hbm>>
      tpu.wait_dma2 semaphore(%arg13 : memref<!tpu.dma_semaphore, #tpu.memory_space<semaphore_mem>>) src(%dma_wait3A_84 : memref<2x96xi32, #tpu.memory_space<hbm>>) dst(%arg7 : memref<2x96xi32, #tpu.memory_space<vmem>>)
      %dma_start3A_85 = arith.constant 0 : i32
      %dma_start3A_86 = arith.constant 0 : i32
      %dma_start3A_87 = tpu.memref_slice %arg7[%dma_start3A_85, %dma_start3A_86] : memref<2x96xi32, #tpu.memory_space<vmem>> -> memref<1x96xi32, #tpu.memory_space<vmem>>
      %dma_start3A_88 = tpu.memref_squeeze %dma_start3A_87 : memref<1x96xi32, #tpu.memory_space<vmem>> -> memref<96xi32, #tpu.memory_space<vmem>>
      %dma_start3A_89 = arith.constant 0 : i32
      %dma_start3A_90 = arith.constant 0 : i32
      %dma_start3A_91 = tpu.memref_slice %arg2[%dma_start3A_89, %dma_start3A_90] : memref<10000x128xf32, #tpu.memory_space<hbm>> -> memref<10000x128xf32, #tpu.memory_space<hbm>>
      tpu.enqueue_indirect_dma source(%dma_start3A_91 : memref<10000x128xf32, #tpu.memory_space<hbm>>) target(%arg9 : memref<96x128xf32, #tpu.memory_space<vmem>>) offsets(%dma_start3A_88 : memref<96xi32, #tpu.memory_space<vmem>>) semaphore(%arg11 : memref<!tpu.dma_semaphore, #tpu.memory_space<semaphore_mem>>)
      %dma_wait3A_92 = arith.constant 0 : i32
      %dma_wait3A_93 = arith.constant 0 : i32
      %dma_wait3A_94 = arith.constant 0 : i32
      %dma_wait3A_95 = tpu.memref_slice %arg3[%add3A, %dma_wait3A_92, %dma_wait3A_93, %dma_wait3A_94] : memref<32x108x2x96xi32, #tpu.memory_space<hbm>> -> memref<1x1x2x96xi32, #tpu.memory_space<hbm>>
      %dma_wait3A_96 = tpu.memref_squeeze %dma_wait3A_95 : memref<1x1x2x96xi32, #tpu.memory_space<hbm>> -> memref<2x96xi32, #tpu.memory_space<hbm>>
      %dma_wait3A_97 = arith.constant 0 : i32
      %dma_wait3A_98 = arith.constant 0 : i32
      %dma_wait3A_99 = tpu.memref_slice %arg3[%add3A, %dma_wait3A_92, %dma_wait3A_97, %dma_wait3A_98] : memref<32x108x2x96xi32, #tpu.memory_space<hbm>> -> memref<1x1x2x96xi32, #tpu.memory_space<hbm>>
      %dma_wait3A_100 = tpu.memref_squeeze %dma_wait3A_99 : memref<1x1x2x96xi32, #tpu.memory_space<hbm>> -> memref<2x96xi32, #tpu.memory_space<hbm>>
      tpu.wait_dma2 semaphore(%arg14 : memref<!tpu.dma_semaphore, #tpu.memory_space<semaphore_mem>>) src(%dma_wait3A_100 : memref<2x96xi32, #tpu.memory_space<hbm>>) dst(%arg8 : memref<2x96xi32, #tpu.memory_space<vmem>>)
      %dma_start3A_101 = arith.constant 0 : i32
      %dma_start3A_102 = arith.constant 0 : i32
      %dma_start3A_103 = tpu.memref_slice %arg8[%dma_start3A_101, %dma_start3A_102] : memref<2x96xi32, #tpu.memory_space<vmem>> -> memref<1x96xi32, #tpu.memory_space<vmem>>
      %dma_start3A_104 = tpu.memref_squeeze %dma_start3A_103 : memref<1x96xi32, #tpu.memory_space<vmem>> -> memref<96xi32, #tpu.memory_space<vmem>>
      %dma_start3A_105 = arith.constant 0 : i32
      %dma_start3A_106 = arith.constant 0 : i32
      %dma_start3A_107 = tpu.memref_slice %arg2[%dma_start3A_105, %dma_start3A_106] : memref<10000x128xf32, #tpu.memory_space<hbm>> -> memref<10000x128xf32, #tpu.memory_space<hbm>>
      tpu.enqueue_indirect_dma source(%dma_start3A_107 : memref<10000x128xf32, #tpu.memory_space<hbm>>) target(%arg10 : memref<96x128xf32, #tpu.memory_space<vmem>>) offsets(%dma_start3A_104 : memref<96xi32, #tpu.memory_space<vmem>>) semaphore(%arg12 : memref<!tpu.dma_semaphore, #tpu.memory_space<semaphore_mem>>)
    }
    %scan3A_20 = arith.constant 53 : i32
    %dma_wait3A = arith.constant 0 : i32
    %dma_wait3A_21 = arith.constant 0 : i32
    %dma_wait3A_22 = tpu.memref_slice %arg7[%dma_wait3A, %dma_wait3A_21] : memref<2x96xi32, #tpu.memory_space<vmem>> -> memref<1x96xi32, #tpu.memory_space<vmem>>
    %dma_wait3A_23 = tpu.memref_squeeze %dma_wait3A_22 : memref<1x96xi32, #tpu.memory_space<vmem>> -> memref<96xi32, #tpu.memory_space<vmem>>
    %dma_wait3A_24 = arith.constant 0 : i32
    %dma_wait3A_25 = arith.constant 0 : i32
    %dma_wait3A_26 = tpu.memref_slice %arg2[%dma_wait3A_24, %dma_wait3A_25] : memref<10000x128xf32, #tpu.memory_space<hbm>> -> memref<10000x128xf32, #tpu.memory_space<hbm>>
    tpu.wait_indirect_dma semaphore(%arg11 : memref<!tpu.dma_semaphore, #tpu.memory_space<semaphore_mem>>) src(%dma_wait3A_26 : memref<10000x128xf32, #tpu.memory_space<hbm>>) dst(%arg9 : memref<96x128xf32, #tpu.memory_space<vmem>>)
    %dma_wait3A_27 = arith.constant 0 : i32
    %dma_wait3A_28 = arith.constant 0 : i32
    %dma_wait3A_29 = tpu.memref_slice %arg8[%dma_wait3A_27, %dma_wait3A_28] : memref<2x96xi32, #tpu.memory_space<vmem>> -> memref<1x96xi32, #tpu.memory_space<vmem>>
    %dma_wait3A_30 = tpu.memref_squeeze %dma_wait3A_29 : memref<1x96xi32, #tpu.memory_space<vmem>> -> memref<96xi32, #tpu.memory_space<vmem>>
    %dma_wait3A_31 = arith.constant 0 : i32
    %dma_wait3A_32 = arith.constant 0 : i32
    %dma_wait3A_33 = tpu.memref_slice %arg2[%dma_wait3A_31, %dma_wait3A_32] : memref<10000x128xf32, #tpu.memory_space<hbm>> -> memref<10000x128xf32, #tpu.memory_space<hbm>>
    tpu.wait_indirect_dma semaphore(%arg12 : memref<!tpu.dma_semaphore, #tpu.memory_space<semaphore_mem>>) src(%dma_wait3A_33 : memref<10000x128xf32, #tpu.memory_space<hbm>>) dst(%arg10 : memref<96x128xf32, #tpu.memory_space<vmem>>)
    %barrier3A_34 = arith.constant 0 : index
    tpu.barrier barrier_id(%barrier3A_34)
    "tpu.region"() ({
      %run_scoped3A_35 = tpu.sem_alloc : memref<!tpu.dma_semaphore, #tpu.memory_space<semaphore_mem>>
      %dma_start3A_36 = arith.constant 0 : i32
      %dma_start3A_37 = arith.constant 0 : i32
      %dma_start3A_38 = tpu.memref_slice %arg5[%arg0, %dma_start3A_36, %dma_start3A_37] : memref<2x10112x128xf32, #tpu.memory_space<hbm>> -> memref<1x10112x128xf32, #tpu.memory_space<hbm>>
      %dma_start3A_39 = tpu.memref_squeeze %dma_start3A_38 : memref<1x10112x128xf32, #tpu.memory_space<hbm>> -> memref<10112x128xf32, #tpu.memory_space<hbm>>
      %dma_start3A_40 = arith.constant 0 : i32
      %dma_start3A_41 = tpu.memref_slice %dma_start3A_39[%mul3A_2, %dma_start3A_40] : memref<10112x128xf32, #tpu.memory_space<hbm>> -> memref<632x128xf32, #tpu.memory_space<hbm>>
      %dma_start3A_42 = arith.constant 0 : i32
      %dma_start3A_43 = tpu.memref_slice %arg6[%mul3A_2, %dma_start3A_42] : memref<10112x128xf32, #tpu.memory_space<vmem_shared>> -> memref<632x128xf32, #tpu.memory_space<vmem_shared>>
      tpu.enqueue_dma source(%dma_start3A_43 : memref<632x128xf32, #tpu.memory_space<vmem_shared>>) target(%dma_start3A_41 : memref<632x128xf32, #tpu.memory_space<hbm>>) target_semaphore(%run_scoped3A_35 : memref<!tpu.dma_semaphore, #tpu.memory_space<semaphore_mem>>)
      %dma_wait3A_44 = arith.constant 0 : i32
      %dma_wait3A_45 = arith.constant 0 : i32
      %dma_wait3A_46 = tpu.memref_slice %arg5[%arg0, %dma_wait3A_44, %dma_wait3A_45] : memref<2x10112x128xf32, #tpu.memory_space<hbm>> -> memref<1x10112x128xf32, #tpu.memory_space<hbm>>
      %dma_wait3A_47 = tpu.memref_squeeze %dma_wait3A_46 : memref<1x10112x128xf32, #tpu.memory_space<hbm>> -> memref<10112x128xf32, #tpu.memory_space<hbm>>
      %dma_wait3A_48 = arith.constant 0 : i32
      %dma_wait3A_49 = tpu.memref_slice %dma_wait3A_47[%mul3A_2, %dma_wait3A_48] : memref<10112x128xf32, #tpu.memory_space<hbm>> -> memref<632x128xf32, #tpu.memory_space<hbm>>
      %dma_wait3A_50 = arith.constant 0 : i32
      %dma_wait3A_51 = tpu.memref_slice %arg6[%mul3A_2, %dma_wait3A_50] : memref<10112x128xf32, #tpu.memory_space<vmem_shared>> -> memref<632x128xf32, #tpu.memory_space<vmem_shared>>
      tpu.wait_dma2 semaphore(%run_scoped3A_35 : memref<!tpu.dma_semaphore, #tpu.memory_space<semaphore_mem>>) src(%dma_wait3A_51 : memref<632x128xf32, #tpu.memory_space<vmem_shared>>) dst(%dma_wait3A_49 : memref<632x128xf32, #tpu.memory_space<hbm>>)
      tpu.yield
    }) : () -> ()
    return
  }
}

#map = affine_map<(d0, d1) -> (0, 0, 0, 0, 0)>
#map1 = affine_map<(d0, d1) -> (0, 0)>
#map2 = affine_map<(d0, d1) -> (0, 0, 0)>
module attributes {stable_mosaic.version = 14 : i64} {
  func.func @body(%arg0: i32, %arg1: i32, %arg2: memref<32x22x4x2x128xi32, #tpu.memory_space<hbm>>, %arg3: memref<10112x128xf32, #tpu.memory_space<hbm>>, %arg4: memref<2x10112x128xf32, #tpu.memory_space<hbm>>, %arg5: memref<10112x128xf32, #tpu.memory_space<vmem_shared>>, %arg6: memref<4x2x128xi32, #tpu.memory_space<vmem>>, %arg7: memref<4x2x128xi32, #tpu.memory_space<vmem>>, %arg8: memref<128x128xf32, #tpu.memory_space<vmem>>, %arg9: memref<!tpu.dma_semaphore, #tpu.memory_space<semaphore_mem>>, %arg10: memref<!tpu.dma_semaphore, #tpu.memory_space<semaphore_mem>>) attributes {dimension_semantics = [#tpu.dimension_semantics<core_parallel>, #tpu.dimension_semantics<subcore_parallel>], iteration_bounds = array<i64: 2, 16>, scalar_prefetch = 0 : i64, scratch_operands = 6 : i64, tpu.core_type = #tpu.core_type<sc_vector_subcore>, window_params = [{transform_indices = #map}, {transform_indices = #map1}, {transform_indices = #map2}]} {
    %mul3A = arith.constant 16 : i32
    %mul3A_0 = arith.muli %arg0, %mul3A : i32
    %add3A = arith.addi %mul3A_0, %arg1 : i32
    %mul3A_1 = arith.constant 632 : i32
    %mul3A_2 = arith.muli %arg1, %mul3A_1 : i32
    "tpu.region"() ({
      %run_scoped3A_33 = tpu.sem_alloc : memref<!tpu.dma_semaphore, #tpu.memory_space<semaphore_mem>>
      %dma_start3A_34 = arith.constant 0 : i32
      %dma_start3A_35 = tpu.memref_slice %arg5[%mul3A_2, %dma_start3A_34] : memref<10112x128xf32, #tpu.memory_space<vmem_shared>> -> memref<632x128xf32, #tpu.memory_space<vmem_shared>>
      %dma_start3A_36 = arith.constant 0 : i32
      %dma_start3A_37 = tpu.memref_slice %arg3[%mul3A_2, %dma_start3A_36] : memref<10112x128xf32, #tpu.memory_space<hbm>> -> memref<632x128xf32, #tpu.memory_space<hbm>>
      tpu.enqueue_dma source(%dma_start3A_37 : memref<632x128xf32, #tpu.memory_space<hbm>>) target(%dma_start3A_35 : memref<632x128xf32, #tpu.memory_space<vmem_shared>>) target_semaphore(%run_scoped3A_33 : memref<!tpu.dma_semaphore, #tpu.memory_space<semaphore_mem>>)
      %dma_wait3A_38 = arith.constant 0 : i32
      %dma_wait3A_39 = tpu.memref_slice %arg5[%mul3A_2, %dma_wait3A_38] : memref<10112x128xf32, #tpu.memory_space<vmem_shared>> -> memref<632x128xf32, #tpu.memory_space<vmem_shared>>
      %dma_wait3A_40 = arith.constant 0 : i32
      %dma_wait3A_41 = tpu.memref_slice %arg3[%mul3A_2, %dma_wait3A_40] : memref<10112x128xf32, #tpu.memory_space<hbm>> -> memref<632x128xf32, #tpu.memory_space<hbm>>
      tpu.wait_dma2 semaphore(%run_scoped3A_33 : memref<!tpu.dma_semaphore, #tpu.memory_space<semaphore_mem>>) src(%dma_wait3A_41 : memref<632x128xf32, #tpu.memory_space<hbm>>) dst(%dma_wait3A_39 : memref<632x128xf32, #tpu.memory_space<vmem_shared>>)
      tpu.yield
    }) : () -> ()
    %scan3A = arith.constant 0 : i32
    %scan3A_3 = arith.constant 128 : i32
    %scan3A_4 = arith.addi %scan3A, %scan3A_3 : i32
    %scan3A_5 = arith.constant 1 : i32
    scf.for %scan3A_33 = %scan3A to %scan3A_4 step %scan3A_5  : i32 {
      %mul3A_34 = arith.constant 1 : i32
      %mul3A_35 = arith.muli %scan3A_33, %mul3A_34 : i32
      %add3A_36 = arith.constant 0 : i32
      %add3A_37 = arith.addi %add3A_36, %mul3A_35 : i32
      %scan3A_38 = arith.constant 0 : i32
      %scan3A_39 = arith.constant 8 : i32
      %scan3A_40 = arith.addi %scan3A_38, %scan3A_39 : i32
      %scan3A_41 = arith.constant 1 : i32
      scf.for %scan3A_43 = %scan3A_38 to %scan3A_40 step %scan3A_41  : i32 {
        %mul3A_44 = arith.constant 16 : i32
        %mul3A_45 = arith.muli %scan3A_43, %mul3A_44 : i32
        %add3A_46 = arith.constant 0 : i32
        %add3A_47 = arith.addi %add3A_46, %mul3A_45 : i32
        %broadcast_in_dim3A = arith.constant 1.000000e+00 : f32
        %broadcast_in_dim3A_48 = vector.broadcast %broadcast_in_dim3A : f32 to vector<16xf32>
        %swap3A = arith.index_cast %add3A_37 : i32 to index
        %swap3A_49 = arith.index_cast %add3A_47 : i32 to index
        %swap3A_50 = tpu.vector_load %arg8[%swap3A, %swap3A_49] {strides = array<i32>} : memref<128x128xf32, #tpu.memory_space<vmem>>, vector<1x16xf32>,
        %swap3A_51 = vector.shape_cast %swap3A_50 : vector<1x16xf32> to vector<16xf32>
        %swap3A_52 = vector.shape_cast %broadcast_in_dim3A_48 : vector<16xf32> to vector<1x16xf32>
        tpu.vector_store %arg8[%swap3A, %swap3A_49], %swap3A_52 {strides = array<i32>} : memref<128x128xf32, #tpu.memory_space<vmem>>, vector<1x16xf32>,
      }
      %scan3A_42 = arith.constant 8 : i32
    }
    %scan3A_6 = arith.constant 128 : i32
    %run_scoped3A = arith.constant 0 : i32
    "tpu.region"() ({
      %run_scoped3A_33 = tpu.sem_alloc : memref<!tpu.dma_semaphore, #tpu.memory_space<semaphore_mem>>
      %dma_start3A_34 = arith.constant 0 : i32
      %dma_start3A_35 = arith.constant 0 : i32
      %dma_start3A_36 = arith.constant 0 : i32
      %dma_start3A_37 = tpu.memref_slice %arg2[%add3A, %run_scoped3A, %dma_start3A_34, %dma_start3A_35, %dma_start3A_36] : memref<32x22x4x2x128xi32, #tpu.memory_space<hbm>> -> memref<1x1x4x2x128xi32, #tpu.memory_space<hbm>>
      %dma_start3A_38 = tpu.memref_squeeze %dma_start3A_37 : memref<1x1x4x2x128xi32, #tpu.memory_space<hbm>> -> memref<4x2x128xi32, #tpu.memory_space<hbm>>
      %dma_start3A_39 = arith.constant 0 : i32
      %dma_start3A_40 = arith.constant 0 : i32
      %dma_start3A_41 = arith.constant 0 : i32
      %dma_start3A_42 = tpu.memref_slice %arg2[%add3A, %run_scoped3A, %dma_start3A_39, %dma_start3A_40, %dma_start3A_41] : memref<32x22x4x2x128xi32, #tpu.memory_space<hbm>> -> memref<1x1x4x2x128xi32, #tpu.memory_space<hbm>>
      %dma_start3A_43 = tpu.memref_squeeze %dma_start3A_42 : memref<1x1x4x2x128xi32, #tpu.memory_space<hbm>> -> memref<4x2x128xi32, #tpu.memory_space<hbm>>
      tpu.enqueue_dma source(%dma_start3A_43 : memref<4x2x128xi32, #tpu.memory_space<hbm>>) target(%arg6 : memref<4x2x128xi32, #tpu.memory_space<vmem>>) target_semaphore(%run_scoped3A_33 : memref<!tpu.dma_semaphore, #tpu.memory_space<semaphore_mem>>)
      %dma_wait3A_44 = arith.constant 0 : i32
      %dma_wait3A_45 = arith.constant 0 : i32
      %dma_wait3A_46 = arith.constant 0 : i32
      %dma_wait3A_47 = tpu.memref_slice %arg2[%add3A, %run_scoped3A, %dma_wait3A_44, %dma_wait3A_45, %dma_wait3A_46] : memref<32x22x4x2x128xi32, #tpu.memory_space<hbm>> -> memref<1x1x4x2x128xi32, #tpu.memory_space<hbm>>
      %dma_wait3A_48 = tpu.memref_squeeze %dma_wait3A_47 : memref<1x1x4x2x128xi32, #tpu.memory_space<hbm>> -> memref<4x2x128xi32, #tpu.memory_space<hbm>>
      %dma_wait3A_49 = arith.constant 0 : i32
      %dma_wait3A_50 = arith.constant 0 : i32
      %dma_wait3A_51 = arith.constant 0 : i32
      %dma_wait3A_52 = tpu.memref_slice %arg2[%add3A, %run_scoped3A, %dma_wait3A_49, %dma_wait3A_50, %dma_wait3A_51] : memref<32x22x4x2x128xi32, #tpu.memory_space<hbm>> -> memref<1x1x4x2x128xi32, #tpu.memory_space<hbm>>
      %dma_wait3A_53 = tpu.memref_squeeze %dma_wait3A_52 : memref<1x1x4x2x128xi32, #tpu.memory_space<hbm>> -> memref<4x2x128xi32, #tpu.memory_space<hbm>>
      tpu.wait_dma2 semaphore(%run_scoped3A_33 : memref<!tpu.dma_semaphore, #tpu.memory_space<semaphore_mem>>) src(%dma_wait3A_53 : memref<4x2x128xi32, #tpu.memory_space<hbm>>) dst(%arg6 : memref<4x2x128xi32, #tpu.memory_space<vmem>>)
      tpu.yield
    }) : () -> ()
    %dma_start3A = arith.constant 1 : i32
    %dma_start3A_7 = arith.constant 0 : i32
    %dma_start3A_8 = arith.constant 0 : i32
    %dma_start3A_9 = arith.constant 0 : i32
    %dma_start3A_10 = tpu.memref_slice %arg2[%add3A, %dma_start3A, %dma_start3A_7, %dma_start3A_8, %dma_start3A_9] : memref<32x22x4x2x128xi32, #tpu.memory_space<hbm>> -> memref<1x1x4x2x128xi32, #tpu.memory_space<hbm>>
    %dma_start3A_11 = tpu.memref_squeeze %dma_start3A_10 : memref<1x1x4x2x128xi32, #tpu.memory_space<hbm>> -> memref<4x2x128xi32, #tpu.memory_space<hbm>>
    %dma_start3A_12 = arith.constant 0 : i32
    %dma_start3A_13 = arith.constant 0 : i32
    %dma_start3A_14 = arith.constant 0 : i32
    %dma_start3A_15 = tpu.memref_slice %arg2[%add3A, %dma_start3A, %dma_start3A_12, %dma_start3A_13, %dma_start3A_14] : memref<32x22x4x2x128xi32, #tpu.memory_space<hbm>> -> memref<1x1x4x2x128xi32, #tpu.memory_space<hbm>>
    %dma_start3A_16 = tpu.memref_squeeze %dma_start3A_15 : memref<1x1x4x2x128xi32, #tpu.memory_space<hbm>> -> memref<4x2x128xi32, #tpu.memory_space<hbm>>
    tpu.enqueue_dma source(%dma_start3A_16 : memref<4x2x128xi32, #tpu.memory_space<hbm>>) target(%arg7 : memref<4x2x128xi32, #tpu.memory_space<vmem>>) target_semaphore(%arg10 : memref<!tpu.dma_semaphore, #tpu.memory_space<semaphore_mem>>)
    %barrier3A = arith.constant 0 : index
    tpu.barrier barrier_id(%barrier3A)
    %scan3A_17 = arith.constant 0 : i32
    %scan3A_18 = arith.constant 10 : i32
    %scan3A_19 = arith.addi %scan3A_17, %scan3A_18 : i32
    %scan3A_20 = arith.constant 1 : i32
    scf.for %scan3A_33 = %scan3A_17 to %scan3A_19 step %scan3A_20  : i32 {
      %mul3A_34 = arith.constant 1 : i32
      %mul3A_35 = arith.muli %scan3A_33, %mul3A_34 : i32
      %add3A_36 = arith.constant 0 : i32
      %add3A_37 = arith.addi %add3A_36, %mul3A_35 : i32
      %mul3A_38 = arith.constant 2 : i32
      %mul3A_39 = arith.muli %mul3A_38, %add3A_37 : i32
      %run_scoped3A_40 = arith.constant 0 : i32
      %run_scoped3A_41 = arith.constant 1 : i32
      "tpu.region"() ({
        %run_scoped3A_102 = tpu.sem_alloc : memref<!tpu.dma_semaphore, #tpu.memory_space<semaphore_mem>>
        %dma_start3A_103 = arith.constant 0 : i32
        %dma_start3A_104 = tpu.memref_slice %arg6[%run_scoped3A_40, %run_scoped3A_41, %dma_start3A_103] : memref<4x2x128xi32, #tpu.memory_space<vmem>> -> memref<1x1x128xi32, #tpu.memory_space<vmem>>
        %dma_start3A_105 = tpu.memref_squeeze %dma_start3A_104 : memref<1x1x128xi32, #tpu.memory_space<vmem>> -> memref<128xi32, #tpu.memory_space<vmem>>
        %dma_start3A_106 = arith.constant 0 : i32
        %dma_start3A_107 = arith.constant 0 : i32
        %dma_start3A_108 = tpu.memref_slice %arg5[%dma_start3A_106, %dma_start3A_107] : memref<10112x128xf32, #tpu.memory_space<vmem_shared>> -> memref<10112x128xf32, #tpu.memory_space<vmem_shared>>
        tpu.enqueue_indirect_dma source(%arg8 : memref<128x128xf32, #tpu.memory_space<vmem>>) target(%dma_start3A_108 : memref<10112x128xf32, #tpu.memory_space<vmem_shared>>) offsets(%dma_start3A_105 : memref<128xi32, #tpu.memory_space<vmem>>) semaphore(%run_scoped3A_102 : memref<!tpu.dma_semaphore, #tpu.memory_space<semaphore_mem>>) {add = true}
        %dma_wait3A_109 = arith.constant 0 : i32
        %dma_wait3A_110 = tpu.memref_slice %arg6[%run_scoped3A_40, %run_scoped3A_41, %dma_wait3A_109] : memref<4x2x128xi32, #tpu.memory_space<vmem>> -> memref<1x1x128xi32, #tpu.memory_space<vmem>>
        %dma_wait3A_111 = tpu.memref_squeeze %dma_wait3A_110 : memref<1x1x128xi32, #tpu.memory_space<vmem>> -> memref<128xi32, #tpu.memory_space<vmem>>
        %dma_wait3A_112 = arith.constant 0 : i32
        %dma_wait3A_113 = arith.constant 0 : i32
        %dma_wait3A_114 = tpu.memref_slice %arg5[%dma_wait3A_112, %dma_wait3A_113] : memref<10112x128xf32, #tpu.memory_space<vmem_shared>> -> memref<10112x128xf32, #tpu.memory_space<vmem_shared>>
        tpu.wait_indirect_dma semaphore(%run_scoped3A_102 : memref<!tpu.dma_semaphore, #tpu.memory_space<semaphore_mem>>) src(%arg8 : memref<128x128xf32, #tpu.memory_space<vmem>>) dst(%dma_wait3A_114 : memref<10112x128xf32, #tpu.memory_space<vmem_shared>>)
        tpu.yield
      }) : () -> ()
      %run_scoped3A_42 = arith.constant 1 : i32
      %run_scoped3A_43 = arith.constant 1 : i32
      "tpu.region"() ({
        %run_scoped3A_102 = tpu.sem_alloc : memref<!tpu.dma_semaphore, #tpu.memory_space<semaphore_mem>>
        %dma_start3A_103 = arith.constant 0 : i32
        %dma_start3A_104 = tpu.memref_slice %arg6[%run_scoped3A_42, %run_scoped3A_43, %dma_start3A_103] : memref<4x2x128xi32, #tpu.memory_space<vmem>> -> memref<1x1x128xi32, #tpu.memory_space<vmem>>
        %dma_start3A_105 = tpu.memref_squeeze %dma_start3A_104 : memref<1x1x128xi32, #tpu.memory_space<vmem>> -> memref<128xi32, #tpu.memory_space<vmem>>
        %dma_start3A_106 = arith.constant 0 : i32
        %dma_start3A_107 = arith.constant 0 : i32
        %dma_start3A_108 = tpu.memref_slice %arg5[%dma_start3A_106, %dma_start3A_107] : memref<10112x128xf32, #tpu.memory_space<vmem_shared>> -> memref<10112x128xf32, #tpu.memory_space<vmem_shared>>
        tpu.enqueue_indirect_dma source(%arg8 : memref<128x128xf32, #tpu.memory_space<vmem>>) target(%dma_start3A_108 : memref<10112x128xf32, #tpu.memory_space<vmem_shared>>) offsets(%dma_start3A_105 : memref<128xi32, #tpu.memory_space<vmem>>) semaphore(%run_scoped3A_102 : memref<!tpu.dma_semaphore, #tpu.memory_space<semaphore_mem>>) {add = true}
        %dma_wait3A_109 = arith.constant 0 : i32
        %dma_wait3A_110 = tpu.memref_slice %arg6[%run_scoped3A_42, %run_scoped3A_43, %dma_wait3A_109] : memref<4x2x128xi32, #tpu.memory_space<vmem>> -> memref<1x1x128xi32, #tpu.memory_space<vmem>>
        %dma_wait3A_111 = tpu.memref_squeeze %dma_wait3A_110 : memref<1x1x128xi32, #tpu.memory_space<vmem>> -> memref<128xi32, #tpu.memory_space<vmem>>
        %dma_wait3A_112 = arith.constant 0 : i32
        %dma_wait3A_113 = arith.constant 0 : i32
        %dma_wait3A_114 = tpu.memref_slice %arg5[%dma_wait3A_112, %dma_wait3A_113] : memref<10112x128xf32, #tpu.memory_space<vmem_shared>> -> memref<10112x128xf32, #tpu.memory_space<vmem_shared>>
        tpu.wait_indirect_dma semaphore(%run_scoped3A_102 : memref<!tpu.dma_semaphore, #tpu.memory_space<semaphore_mem>>) src(%arg8 : memref<128x128xf32, #tpu.memory_space<vmem>>) dst(%dma_wait3A_114 : memref<10112x128xf32, #tpu.memory_space<vmem_shared>>)
        tpu.yield
      }) : () -> ()
      %run_scoped3A_44 = arith.constant 2 : i32
      %run_scoped3A_45 = arith.constant 1 : i32
      "tpu.region"() ({
        %run_scoped3A_102 = tpu.sem_alloc : memref<!tpu.dma_semaphore, #tpu.memory_space<semaphore_mem>>
        %dma_start3A_103 = arith.constant 0 : i32
        %dma_start3A_104 = tpu.memref_slice %arg6[%run_scoped3A_44, %run_scoped3A_45, %dma_start3A_103] : memref<4x2x128xi32, #tpu.memory_space<vmem>> -> memref<1x1x128xi32, #tpu.memory_space<vmem>>
        %dma_start3A_105 = tpu.memref_squeeze %dma_start3A_104 : memref<1x1x128xi32, #tpu.memory_space<vmem>> -> memref<128xi32, #tpu.memory_space<vmem>>
        %dma_start3A_106 = arith.constant 0 : i32
        %dma_start3A_107 = arith.constant 0 : i32
        %dma_start3A_108 = tpu.memref_slice %arg5[%dma_start3A_106, %dma_start3A_107] : memref<10112x128xf32, #tpu.memory_space<vmem_shared>> -> memref<10112x128xf32, #tpu.memory_space<vmem_shared>>
        tpu.enqueue_indirect_dma source(%arg8 : memref<128x128xf32, #tpu.memory_space<vmem>>) target(%dma_start3A_108 : memref<10112x128xf32, #tpu.memory_space<vmem_shared>>) offsets(%dma_start3A_105 : memref<128xi32, #tpu.memory_space<vmem>>) semaphore(%run_scoped3A_102 : memref<!tpu.dma_semaphore, #tpu.memory_space<semaphore_mem>>) {add = true}
        %dma_wait3A_109 = arith.constant 0 : i32
        %dma_wait3A_110 = tpu.memref_slice %arg6[%run_scoped3A_44, %run_scoped3A_45, %dma_wait3A_109] : memref<4x2x128xi32, #tpu.memory_space<vmem>> -> memref<1x1x128xi32, #tpu.memory_space<vmem>>
        %dma_wait3A_111 = tpu.memref_squeeze %dma_wait3A_110 : memref<1x1x128xi32, #tpu.memory_space<vmem>> -> memref<128xi32, #tpu.memory_space<vmem>>
        %dma_wait3A_112 = arith.constant 0 : i32
        %dma_wait3A_113 = arith.constant 0 : i32
        %dma_wait3A_114 = tpu.memref_slice %arg5[%dma_wait3A_112, %dma_wait3A_113] : memref<10112x128xf32, #tpu.memory_space<vmem_shared>> -> memref<10112x128xf32, #tpu.memory_space<vmem_shared>>
        tpu.wait_indirect_dma semaphore(%run_scoped3A_102 : memref<!tpu.dma_semaphore, #tpu.memory_space<semaphore_mem>>) src(%arg8 : memref<128x128xf32, #tpu.memory_space<vmem>>) dst(%dma_wait3A_114 : memref<10112x128xf32, #tpu.memory_space<vmem_shared>>)
        tpu.yield
      }) : () -> ()
      %run_scoped3A_46 = arith.constant 3 : i32
      %run_scoped3A_47 = arith.constant 1 : i32
      "tpu.region"() ({
        %run_scoped3A_102 = tpu.sem_alloc : memref<!tpu.dma_semaphore, #tpu.memory_space<semaphore_mem>>
        %dma_start3A_103 = arith.constant 0 : i32
        %dma_start3A_104 = tpu.memref_slice %arg6[%run_scoped3A_46, %run_scoped3A_47, %dma_start3A_103] : memref<4x2x128xi32, #tpu.memory_space<vmem>> -> memref<1x1x128xi32, #tpu.memory_space<vmem>>
        %dma_start3A_105 = tpu.memref_squeeze %dma_start3A_104 : memref<1x1x128xi32, #tpu.memory_space<vmem>> -> memref<128xi32, #tpu.memory_space<vmem>>
        %dma_start3A_106 = arith.constant 0 : i32
        %dma_start3A_107 = arith.constant 0 : i32
        %dma_start3A_108 = tpu.memref_slice %arg5[%dma_start3A_106, %dma_start3A_107] : memref<10112x128xf32, #tpu.memory_space<vmem_shared>> -> memref<10112x128xf32, #tpu.memory_space<vmem_shared>>
        tpu.enqueue_indirect_dma source(%arg8 : memref<128x128xf32, #tpu.memory_space<vmem>>) target(%dma_start3A_108 : memref<10112x128xf32, #tpu.memory_space<vmem_shared>>) offsets(%dma_start3A_105 : memref<128xi32, #tpu.memory_space<vmem>>) semaphore(%run_scoped3A_102 : memref<!tpu.dma_semaphore, #tpu.memory_space<semaphore_mem>>) {add = true}
        %dma_wait3A_109 = arith.constant 0 : i32
        %dma_wait3A_110 = tpu.memref_slice %arg6[%run_scoped3A_46, %run_scoped3A_47, %dma_wait3A_109] : memref<4x2x128xi32, #tpu.memory_space<vmem>> -> memref<1x1x128xi32, #tpu.memory_space<vmem>>
        %dma_wait3A_111 = tpu.memref_squeeze %dma_wait3A_110 : memref<1x1x128xi32, #tpu.memory_space<vmem>> -> memref<128xi32, #tpu.memory_space<vmem>>
        %dma_wait3A_112 = arith.constant 0 : i32
        %dma_wait3A_113 = arith.constant 0 : i32
        %dma_wait3A_114 = tpu.memref_slice %arg5[%dma_wait3A_112, %dma_wait3A_113] : memref<10112x128xf32, #tpu.memory_space<vmem_shared>> -> memref<10112x128xf32, #tpu.memory_space<vmem_shared>>
        tpu.wait_indirect_dma semaphore(%run_scoped3A_102 : memref<!tpu.dma_semaphore, #tpu.memory_space<semaphore_mem>>) src(%arg8 : memref<128x128xf32, #tpu.memory_space<vmem>>) dst(%dma_wait3A_114 : memref<10112x128xf32, #tpu.memory_space<vmem_shared>>)
        tpu.yield
      }) : () -> ()
      %add3A_48 = arith.constant 2 : i32
      %add3A_49 = arith.addi %mul3A_39, %add3A_48 : i32
      %dma_start3A_50 = arith.constant 0 : i32
      %dma_start3A_51 = arith.constant 0 : i32
      %dma_start3A_52 = arith.constant 0 : i32
      %dma_start3A_53 = tpu.memref_slice %arg2[%add3A, %add3A_49, %dma_start3A_50, %dma_start3A_51, %dma_start3A_52] : memref<32x22x4x2x128xi32, #tpu.memory_space<hbm>> -> memref<1x1x4x2x128xi32, #tpu.memory_space<hbm>>
      %dma_start3A_54 = tpu.memref_squeeze %dma_start3A_53 : memref<1x1x4x2x128xi32, #tpu.memory_space<hbm>> -> memref<4x2x128xi32, #tpu.memory_space<hbm>>
      %dma_start3A_55 = arith.constant 0 : i32
      %dma_start3A_56 = arith.constant 0 : i32
      %dma_start3A_57 = arith.constant 0 : i32
      %dma_start3A_58 = tpu.memref_slice %arg2[%add3A, %add3A_49, %dma_start3A_55, %dma_start3A_56, %dma_start3A_57] : memref<32x22x4x2x128xi32, #tpu.memory_space<hbm>> -> memref<1x1x4x2x128xi32, #tpu.memory_space<hbm>>
      %dma_start3A_59 = tpu.memref_squeeze %dma_start3A_58 : memref<1x1x4x2x128xi32, #tpu.memory_space<hbm>> -> memref<4x2x128xi32, #tpu.memory_space<hbm>>
      tpu.enqueue_dma source(%dma_start3A_59 : memref<4x2x128xi32, #tpu.memory_space<hbm>>) target(%arg6 : memref<4x2x128xi32, #tpu.memory_space<vmem>>) target_semaphore(%arg9 : memref<!tpu.dma_semaphore, #tpu.memory_space<semaphore_mem>>)
      %dma_wait3A_60 = arith.constant 0 : i32
      %dma_wait3A_61 = arith.constant 0 : i32
      %dma_wait3A_62 = arith.constant 0 : i32
      %dma_wait3A_63 = arith.constant 0 : i32
      %dma_wait3A_64 = tpu.memref_slice %arg2[%add3A, %dma_wait3A_60, %dma_wait3A_61, %dma_wait3A_62, %dma_wait3A_63] : memref<32x22x4x2x128xi32, #tpu.memory_space<hbm>> -> memref<1x1x4x2x128xi32, #tpu.memory_space<hbm>>
      %dma_wait3A_65 = tpu.memref_squeeze %dma_wait3A_64 : memref<1x1x4x2x128xi32, #tpu.memory_space<hbm>> -> memref<4x2x128xi32, #tpu.memory_space<hbm>>
      %dma_wait3A_66 = arith.constant 0 : i32
      %dma_wait3A_67 = arith.constant 0 : i32
      %dma_wait3A_68 = arith.constant 0 : i32
      %dma_wait3A_69 = tpu.memref_slice %arg2[%add3A, %dma_wait3A_60, %dma_wait3A_66, %dma_wait3A_67, %dma_wait3A_68] : memref<32x22x4x2x128xi32, #tpu.memory_space<hbm>> -> memref<1x1x4x2x128xi32, #tpu.memory_space<hbm>>
      %dma_wait3A_70 = tpu.memref_squeeze %dma_wait3A_69 : memref<1x1x4x2x128xi32, #tpu.memory_space<hbm>> -> memref<4x2x128xi32, #tpu.memory_space<hbm>>
      tpu.wait_dma2 semaphore(%arg10 : memref<!tpu.dma_semaphore, #tpu.memory_space<semaphore_mem>>) src(%dma_wait3A_70 : memref<4x2x128xi32, #tpu.memory_space<hbm>>) dst(%arg7 : memref<4x2x128xi32, #tpu.memory_space<vmem>>)
      %run_scoped3A_71 = arith.constant 0 : i32
      %run_scoped3A_72 = arith.constant 1 : i32
      "tpu.region"() ({
        %run_scoped3A_102 = tpu.sem_alloc : memref<!tpu.dma_semaphore, #tpu.memory_space<semaphore_mem>>
        %dma_start3A_103 = arith.constant 0 : i32
        %dma_start3A_104 = tpu.memref_slice %arg7[%run_scoped3A_71, %run_scoped3A_72, %dma_start3A_103] : memref<4x2x128xi32, #tpu.memory_space<vmem>> -> memref<1x1x128xi32, #tpu.memory_space<vmem>>
        %dma_start3A_105 = tpu.memref_squeeze %dma_start3A_104 : memref<1x1x128xi32, #tpu.memory_space<vmem>> -> memref<128xi32, #tpu.memory_space<vmem>>
        %dma_start3A_106 = arith.constant 0 : i32
        %dma_start3A_107 = arith.constant 0 : i32
        %dma_start3A_108 = tpu.memref_slice %arg5[%dma_start3A_106, %dma_start3A_107] : memref<10112x128xf32, #tpu.memory_space<vmem_shared>> -> memref<10112x128xf32, #tpu.memory_space<vmem_shared>>
        tpu.enqueue_indirect_dma source(%arg8 : memref<128x128xf32, #tpu.memory_space<vmem>>) target(%dma_start3A_108 : memref<10112x128xf32, #tpu.memory_space<vmem_shared>>) offsets(%dma_start3A_105 : memref<128xi32, #tpu.memory_space<vmem>>) semaphore(%run_scoped3A_102 : memref<!tpu.dma_semaphore, #tpu.memory_space<semaphore_mem>>) {add = true}
        %dma_wait3A_109 = arith.constant 0 : i32
        %dma_wait3A_110 = tpu.memref_slice %arg7[%run_scoped3A_71, %run_scoped3A_72, %dma_wait3A_109] : memref<4x2x128xi32, #tpu.memory_space<vmem>> -> memref<1x1x128xi32, #tpu.memory_space<vmem>>
        %dma_wait3A_111 = tpu.memref_squeeze %dma_wait3A_110 : memref<1x1x128xi32, #tpu.memory_space<vmem>> -> memref<128xi32, #tpu.memory_space<vmem>>
        %dma_wait3A_112 = arith.constant 0 : i32
        %dma_wait3A_113 = arith.constant 0 : i32
        %dma_wait3A_114 = tpu.memref_slice %arg5[%dma_wait3A_112, %dma_wait3A_113] : memref<10112x128xf32, #tpu.memory_space<vmem_shared>> -> memref<10112x128xf32, #tpu.memory_space<vmem_shared>>
        tpu.wait_indirect_dma semaphore(%run_scoped3A_102 : memref<!tpu.dma_semaphore, #tpu.memory_space<semaphore_mem>>) src(%arg8 : memref<128x128xf32, #tpu.memory_space<vmem>>) dst(%dma_wait3A_114 : memref<10112x128xf32, #tpu.memory_space<vmem_shared>>)
        tpu.yield
      }) : () -> ()
      %run_scoped3A_73 = arith.constant 1 : i32
      %run_scoped3A_74 = arith.constant 1 : i32
      "tpu.region"() ({
        %run_scoped3A_102 = tpu.sem_alloc : memref<!tpu.dma_semaphore, #tpu.memory_space<semaphore_mem>>
        %dma_start3A_103 = arith.constant 0 : i32
        %dma_start3A_104 = tpu.memref_slice %arg7[%run_scoped3A_73, %run_scoped3A_74, %dma_start3A_103] : memref<4x2x128xi32, #tpu.memory_space<vmem>> -> memref<1x1x128xi32, #tpu.memory_space<vmem>>
        %dma_start3A_105 = tpu.memref_squeeze %dma_start3A_104 : memref<1x1x128xi32, #tpu.memory_space<vmem>> -> memref<128xi32, #tpu.memory_space<vmem>>
        %dma_start3A_106 = arith.constant 0 : i32
        %dma_start3A_107 = arith.constant 0 : i32
        %dma_start3A_108 = tpu.memref_slice %arg5[%dma_start3A_106, %dma_start3A_107] : memref<10112x128xf32, #tpu.memory_space<vmem_shared>> -> memref<10112x128xf32, #tpu.memory_space<vmem_shared>>
        tpu.enqueue_indirect_dma source(%arg8 : memref<128x128xf32, #tpu.memory_space<vmem>>) target(%dma_start3A_108 : memref<10112x128xf32, #tpu.memory_space<vmem_shared>>) offsets(%dma_start3A_105 : memref<128xi32, #tpu.memory_space<vmem>>) semaphore(%run_scoped3A_102 : memref<!tpu.dma_semaphore, #tpu.memory_space<semaphore_mem>>) {add = true}
        %dma_wait3A_109 = arith.constant 0 : i32
        %dma_wait3A_110 = tpu.memref_slice %arg7[%run_scoped3A_73, %run_scoped3A_74, %dma_wait3A_109] : memref<4x2x128xi32, #tpu.memory_space<vmem>> -> memref<1x1x128xi32, #tpu.memory_space<vmem>>
        %dma_wait3A_111 = tpu.memref_squeeze %dma_wait3A_110 : memref<1x1x128xi32, #tpu.memory_space<vmem>> -> memref<128xi32, #tpu.memory_space<vmem>>
        %dma_wait3A_112 = arith.constant 0 : i32
        %dma_wait3A_113 = arith.constant 0 : i32
        %dma_wait3A_114 = tpu.memref_slice %arg5[%dma_wait3A_112, %dma_wait3A_113] : memref<10112x128xf32, #tpu.memory_space<vmem_shared>> -> memref<10112x128xf32, #tpu.memory_space<vmem_shared>>
        tpu.wait_indirect_dma semaphore(%run_scoped3A_102 : memref<!tpu.dma_semaphore, #tpu.memory_space<semaphore_mem>>) src(%arg8 : memref<128x128xf32, #tpu.memory_space<vmem>>) dst(%dma_wait3A_114 : memref<10112x128xf32, #tpu.memory_space<vmem_shared>>)
        tpu.yield
      }) : () -> ()
      %run_scoped3A_75 = arith.constant 2 : i32
      %run_scoped3A_76 = arith.constant 1 : i32
      "tpu.region"() ({
        %run_scoped3A_102 = tpu.sem_alloc : memref<!tpu.dma_semaphore, #tpu.memory_space<semaphore_mem>>
        %dma_start3A_103 = arith.constant 0 : i32
        %dma_start3A_104 = tpu.memref_slice %arg7[%run_scoped3A_75, %run_scoped3A_76, %dma_start3A_103] : memref<4x2x128xi32, #tpu.memory_space<vmem>> -> memref<1x1x128xi32, #tpu.memory_space<vmem>>
        %dma_start3A_105 = tpu.memref_squeeze %dma_start3A_104 : memref<1x1x128xi32, #tpu.memory_space<vmem>> -> memref<128xi32, #tpu.memory_space<vmem>>
        %dma_start3A_106 = arith.constant 0 : i32
        %dma_start3A_107 = arith.constant 0 : i32
        %dma_start3A_108 = tpu.memref_slice %arg5[%dma_start3A_106, %dma_start3A_107] : memref<10112x128xf32, #tpu.memory_space<vmem_shared>> -> memref<10112x128xf32, #tpu.memory_space<vmem_shared>>
        tpu.enqueue_indirect_dma source(%arg8 : memref<128x128xf32, #tpu.memory_space<vmem>>) target(%dma_start3A_108 : memref<10112x128xf32, #tpu.memory_space<vmem_shared>>) offsets(%dma_start3A_105 : memref<128xi32, #tpu.memory_space<vmem>>) semaphore(%run_scoped3A_102 : memref<!tpu.dma_semaphore, #tpu.memory_space<semaphore_mem>>) {add = true}
        %dma_wait3A_109 = arith.constant 0 : i32
        %dma_wait3A_110 = tpu.memref_slice %arg7[%run_scoped3A_75, %run_scoped3A_76, %dma_wait3A_109] : memref<4x2x128xi32, #tpu.memory_space<vmem>> -> memref<1x1x128xi32, #tpu.memory_space<vmem>>
        %dma_wait3A_111 = tpu.memref_squeeze %dma_wait3A_110 : memref<1x1x128xi32, #tpu.memory_space<vmem>> -> memref<128xi32, #tpu.memory_space<vmem>>
        %dma_wait3A_112 = arith.constant 0 : i32
        %dma_wait3A_113 = arith.constant 0 : i32
        %dma_wait3A_114 = tpu.memref_slice %arg5[%dma_wait3A_112, %dma_wait3A_113] : memref<10112x128xf32, #tpu.memory_space<vmem_shared>> -> memref<10112x128xf32, #tpu.memory_space<vmem_shared>>
        tpu.wait_indirect_dma semaphore(%run_scoped3A_102 : memref<!tpu.dma_semaphore, #tpu.memory_space<semaphore_mem>>) src(%arg8 : memref<128x128xf32, #tpu.memory_space<vmem>>) dst(%dma_wait3A_114 : memref<10112x128xf32, #tpu.memory_space<vmem_shared>>)
        tpu.yield
      }) : () -> ()
      %run_scoped3A_77 = arith.constant 3 : i32
      %run_scoped3A_78 = arith.constant 1 : i32
      "tpu.region"() ({
        %run_scoped3A_102 = tpu.sem_alloc : memref<!tpu.dma_semaphore, #tpu.memory_space<semaphore_mem>>
        %dma_start3A_103 = arith.constant 0 : i32
        %dma_start3A_104 = tpu.memref_slice %arg7[%run_scoped3A_77, %run_scoped3A_78, %dma_start3A_103] : memref<4x2x128xi32, #tpu.memory_space<vmem>> -> memref<1x1x128xi32, #tpu.memory_space<vmem>>
        %dma_start3A_105 = tpu.memref_squeeze %dma_start3A_104 : memref<1x1x128xi32, #tpu.memory_space<vmem>> -> memref<128xi32, #tpu.memory_space<vmem>>
        %dma_start3A_106 = arith.constant 0 : i32
        %dma_start3A_107 = arith.constant 0 : i32
        %dma_start3A_108 = tpu.memref_slice %arg5[%dma_start3A_106, %dma_start3A_107] : memref<10112x128xf32, #tpu.memory_space<vmem_shared>> -> memref<10112x128xf32, #tpu.memory_space<vmem_shared>>
        tpu.enqueue_indirect_dma source(%arg8 : memref<128x128xf32, #tpu.memory_space<vmem>>) target(%dma_start3A_108 : memref<10112x128xf32, #tpu.memory_space<vmem_shared>>) offsets(%dma_start3A_105 : memref<128xi32, #tpu.memory_space<vmem>>) semaphore(%run_scoped3A_102 : memref<!tpu.dma_semaphore, #tpu.memory_space<semaphore_mem>>) {add = true}
        %dma_wait3A_109 = arith.constant 0 : i32
        %dma_wait3A_110 = tpu.memref_slice %arg7[%run_scoped3A_77, %run_scoped3A_78, %dma_wait3A_109] : memref<4x2x128xi32, #tpu.memory_space<vmem>> -> memref<1x1x128xi32, #tpu.memory_space<vmem>>
        %dma_wait3A_111 = tpu.memref_squeeze %dma_wait3A_110 : memref<1x1x128xi32, #tpu.memory_space<vmem>> -> memref<128xi32, #tpu.memory_space<vmem>>
        %dma_wait3A_112 = arith.constant 0 : i32
        %dma_wait3A_113 = arith.constant 0 : i32
        %dma_wait3A_114 = tpu.memref_slice %arg5[%dma_wait3A_112, %dma_wait3A_113] : memref<10112x128xf32, #tpu.memory_space<vmem_shared>> -> memref<10112x128xf32, #tpu.memory_space<vmem_shared>>
        tpu.wait_indirect_dma semaphore(%run_scoped3A_102 : memref<!tpu.dma_semaphore, #tpu.memory_space<semaphore_mem>>) src(%arg8 : memref<128x128xf32, #tpu.memory_space<vmem>>) dst(%dma_wait3A_114 : memref<10112x128xf32, #tpu.memory_space<vmem_shared>>)
        tpu.yield
      }) : () -> ()
      %add3A_79 = arith.constant 3 : i32
      %add3A_80 = arith.addi %mul3A_39, %add3A_79 : i32
      %dma_start3A_81 = arith.constant 0 : i32
      %dma_start3A_82 = arith.constant 0 : i32
      %dma_start3A_83 = arith.constant 0 : i32
      %dma_start3A_84 = tpu.memref_slice %arg2[%add3A, %add3A_80, %dma_start3A_81, %dma_start3A_82, %dma_start3A_83] : memref<32x22x4x2x128xi32, #tpu.memory_space<hbm>> -> memref<1x1x4x2x128xi32, #tpu.memory_space<hbm>>
      %dma_start3A_85 = tpu.memref_squeeze %dma_start3A_84 : memref<1x1x4x2x128xi32, #tpu.memory_space<hbm>> -> memref<4x2x128xi32, #tpu.memory_space<hbm>>
      %dma_start3A_86 = arith.constant 0 : i32
      %dma_start3A_87 = arith.constant 0 : i32
      %dma_start3A_88 = arith.constant 0 : i32
      %dma_start3A_89 = tpu.memref_slice %arg2[%add3A, %add3A_80, %dma_start3A_86, %dma_start3A_87, %dma_start3A_88] : memref<32x22x4x2x128xi32, #tpu.memory_space<hbm>> -> memref<1x1x4x2x128xi32, #tpu.memory_space<hbm>>
      %dma_start3A_90 = tpu.memref_squeeze %dma_start3A_89 : memref<1x1x4x2x128xi32, #tpu.memory_space<hbm>> -> memref<4x2x128xi32, #tpu.memory_space<hbm>>
      tpu.enqueue_dma source(%dma_start3A_90 : memref<4x2x128xi32, #tpu.memory_space<hbm>>) target(%arg7 : memref<4x2x128xi32, #tpu.memory_space<vmem>>) target_semaphore(%arg10 : memref<!tpu.dma_semaphore, #tpu.memory_space<semaphore_mem>>)
      %dma_wait3A_91 = arith.constant 0 : i32
      %dma_wait3A_92 = arith.constant 0 : i32
      %dma_wait3A_93 = arith.constant 0 : i32
      %dma_wait3A_94 = arith.constant 0 : i32
      %dma_wait3A_95 = tpu.memref_slice %arg2[%add3A, %dma_wait3A_91, %dma_wait3A_92, %dma_wait3A_93, %dma_wait3A_94] : memref<32x22x4x2x128xi32, #tpu.memory_space<hbm>> -> memref<1x1x4x2x128xi32, #tpu.memory_space<hbm>>
      %dma_wait3A_96 = tpu.memref_squeeze %dma_wait3A_95 : memref<1x1x4x2x128xi32, #tpu.memory_space<hbm>> -> memref<4x2x128xi32, #tpu.memory_space<hbm>>
      %dma_wait3A_97 = arith.constant 0 : i32
      %dma_wait3A_98 = arith.constant 0 : i32
      %dma_wait3A_99 = arith.constant 0 : i32
      %dma_wait3A_100 = tpu.memref_slice %arg2[%add3A, %dma_wait3A_91, %dma_wait3A_97, %dma_wait3A_98, %dma_wait3A_99] : memref<32x22x4x2x128xi32, #tpu.memory_space<hbm>> -> memref<1x1x4x2x128xi32, #tpu.memory_space<hbm>>
      %dma_wait3A_101 = tpu.memref_squeeze %dma_wait3A_100 : memref<1x1x4x2x128xi32, #tpu.memory_space<hbm>> -> memref<4x2x128xi32, #tpu.memory_space<hbm>>
      tpu.wait_dma2 semaphore(%arg9 : memref<!tpu.dma_semaphore, #tpu.memory_space<semaphore_mem>>) src(%dma_wait3A_101 : memref<4x2x128xi32, #tpu.memory_space<hbm>>) dst(%arg6 : memref<4x2x128xi32, #tpu.memory_space<vmem>>)
    }
    %scan3A_21 = arith.constant 10 : i32
    %dma_wait3A = arith.constant 0 : i32
    %dma_wait3A_22 = arith.constant 0 : i32
    %dma_wait3A_23 = arith.constant 0 : i32
    %dma_wait3A_24 = arith.constant 0 : i32
    %dma_wait3A_25 = tpu.memref_slice %arg2[%add3A, %dma_wait3A, %dma_wait3A_22, %dma_wait3A_23, %dma_wait3A_24] : memref<32x22x4x2x128xi32, #tpu.memory_space<hbm>> -> memref<1x1x4x2x128xi32, #tpu.memory_space<hbm>>
    %dma_wait3A_26 = tpu.memref_squeeze %dma_wait3A_25 : memref<1x1x4x2x128xi32, #tpu.memory_space<hbm>> -> memref<4x2x128xi32, #tpu.memory_space<hbm>>
    %dma_wait3A_27 = arith.constant 0 : i32
    %dma_wait3A_28 = arith.constant 0 : i32
    %dma_wait3A_29 = arith.constant 0 : i32
    %dma_wait3A_30 = tpu.memref_slice %arg2[%add3A, %dma_wait3A, %dma_wait3A_27, %dma_wait3A_28, %dma_wait3A_29] : memref<32x22x4x2x128xi32, #tpu.memory_space<hbm>> -> memref<1x1x4x2x128xi32, #tpu.memory_space<hbm>>
    %dma_wait3A_31 = tpu.memref_squeeze %dma_wait3A_30 : memref<1x1x4x2x128xi32, #tpu.memory_space<hbm>> -> memref<4x2x128xi32, #tpu.memory_space<hbm>>
    tpu.wait_dma2 semaphore(%arg10 : memref<!tpu.dma_semaphore, #tpu.memory_space<semaphore_mem>>) src(%dma_wait3A_31 : memref<4x2x128xi32, #tpu.memory_space<hbm>>) dst(%arg7 : memref<4x2x128xi32, #tpu.memory_space<vmem>>)
    %barrier3A_32 = arith.constant 0 : index
    tpu.barrier barrier_id(%barrier3A_32)
    "tpu.region"() ({
      %run_scoped3A_33 = tpu.sem_alloc : memref<!tpu.dma_semaphore, #tpu.memory_space<semaphore_mem>>
      %dma_start3A_34 = arith.constant 0 : i32
      %dma_start3A_35 = arith.constant 0 : i32
      %dma_start3A_36 = tpu.memref_slice %arg4[%arg0, %dma_start3A_34, %dma_start3A_35] : memref<2x10112x128xf32, #tpu.memory_space<hbm>> -> memref<1x10112x128xf32, #tpu.memory_space<hbm>>
      %dma_start3A_37 = tpu.memref_squeeze %dma_start3A_36 : memref<1x10112x128xf32, #tpu.memory_space<hbm>> -> memref<10112x128xf32, #tpu.memory_space<hbm>>
      %dma_start3A_38 = arith.constant 0 : i32
      %dma_start3A_39 = tpu.memref_slice %dma_start3A_37[%mul3A_2, %dma_start3A_38] : memref<10112x128xf32, #tpu.memory_space<hbm>> -> memref<632x128xf32, #tpu.memory_space<hbm>>
      %dma_start3A_40 = arith.constant 0 : i32
      %dma_start3A_41 = tpu.memref_slice %arg5[%mul3A_2, %dma_start3A_40] : memref<10112x128xf32, #tpu.memory_space<vmem_shared>> -> memref<632x128xf32, #tpu.memory_space<vmem_shared>>
      tpu.enqueue_dma source(%dma_start3A_41 : memref<632x128xf32, #tpu.memory_space<vmem_shared>>) target(%dma_start3A_39 : memref<632x128xf32, #tpu.memory_space<hbm>>) target_semaphore(%run_scoped3A_33 : memref<!tpu.dma_semaphore, #tpu.memory_space<semaphore_mem>>)
      %dma_wait3A_42 = arith.constant 0 : i32
      %dma_wait3A_43 = arith.constant 0 : i32
      %dma_wait3A_44 = tpu.memref_slice %arg4[%arg0, %dma_wait3A_42, %dma_wait3A_43] : memref<2x10112x128xf32, #tpu.memory_space<hbm>> -> memref<1x10112x128xf32, #tpu.memory_space<hbm>>
      %dma_wait3A_45 = tpu.memref_squeeze %dma_wait3A_44 : memref<1x10112x128xf32, #tpu.memory_space<hbm>> -> memref<10112x128xf32, #tpu.memory_space<hbm>>
      %dma_wait3A_46 = arith.constant 0 : i32
      %dma_wait3A_47 = tpu.memref_slice %dma_wait3A_45[%mul3A_2, %dma_wait3A_46] : memref<10112x128xf32, #tpu.memory_space<hbm>> -> memref<632x128xf32, #tpu.memory_space<hbm>>
      %dma_wait3A_48 = arith.constant 0 : i32
      %dma_wait3A_49 = tpu.memref_slice %arg5[%mul3A_2, %dma_wait3A_48] : memref<10112x128xf32, #tpu.memory_space<vmem_shared>> -> memref<632x128xf32, #tpu.memory_space<vmem_shared>>
      tpu.wait_dma2 semaphore(%run_scoped3A_33 : memref<!tpu.dma_semaphore, #tpu.memory_space<semaphore_mem>>) src(%dma_wait3A_49 : memref<632x128xf32, #tpu.memory_space<vmem_shared>>) dst(%dma_wait3A_47 : memref<632x128xf32, #tpu.memory_space<hbm>>)
      tpu.yield
    }) : () -> ()
    return
  }
}

#map = affine_map<(d0, d1) -> (0, 0)>
#map1 = affine_map<(d0, d1) -> (0, 0, 0, 0)>
#map2 = affine_map<(d0, d1) -> (0, 0, 0)>
module attributes {stable_mosaic.version = 14 : i64} {
  func.func @body(%arg0: i32, %arg1: i32, %arg2: memref<10000x128xf32, #tpu.memory_space<hbm>>, %arg3: memref<32x108x2x96xi32, #tpu.memory_space<hbm>>, %arg4: memref<10112x128xf32, #tpu.memory_space<hbm>>, %arg5: memref<2x10112x128xf32, #tpu.memory_space<hbm>>, %arg6: memref<10112x128xf32, #tpu.memory_space<vmem_shared>>, %arg7: memref<2x96xi32, #tpu.memory_space<vmem>>, %arg8: memref<2x96xi32, #tpu.memory_space<vmem>>, %arg9: memref<96x128xf32, #tpu.memory_space<vmem>>, %arg10: memref<96x128xf32, #tpu.memory_space<vmem>>, %arg11: memref<!tpu.dma_semaphore, #tpu.memory_space<semaphore_mem>>, %arg12: memref<!tpu.dma_semaphore, #tpu.memory_space<semaphore_mem>>, %arg13: memref<!tpu.dma_semaphore, #tpu.memory_space<semaphore_mem>>, %arg14: memref<!tpu.dma_semaphore, #tpu.memory_space<semaphore_mem>>) attributes {dimension_semantics = [#tpu.dimension_semantics<core_parallel>, #tpu.dimension_semantics<subcore_parallel>], iteration_bounds = array<i64: 2, 16>, scalar_prefetch = 0 : i64, scratch_operands = 9 : i64, tpu.core_type = #tpu.core_type<sc_vector_subcore>, window_params = [{transform_indices = #map}, {transform_indices = #map1}, {transform_indices = #map}, {transform_indices = #map2}]} {
    %mul3A = arith.constant 16 : i32
    %mul3A_0 = arith.muli %arg0, %mul3A : i32
    %add3A = arith.addi %mul3A_0, %arg1 : i32
    %mul3A_1 = arith.constant 632 : i32
    %mul3A_2 = arith.muli %arg1, %mul3A_1 : i32
    "tpu.region"() ({
      %run_scoped3A_35 = tpu.sem_alloc : memref<!tpu.dma_semaphore, #tpu.memory_space<semaphore_mem>>
      %dma_start3A_36 = arith.constant 0 : i32
      %dma_start3A_37 = tpu.memref_slice %arg6[%mul3A_2, %dma_start3A_36] : memref<10112x128xf32, #tpu.memory_space<vmem_shared>> -> memref<632x128xf32, #tpu.memory_space<vmem_shared>>
      %dma_start3A_38 = arith.constant 0 : i32
      %dma_start3A_39 = tpu.memref_slice %arg4[%mul3A_2, %dma_start3A_38] : memref<10112x128xf32, #tpu.memory_space<hbm>> -> memref<632x128xf32, #tpu.memory_space<hbm>>
      tpu.enqueue_dma source(%dma_start3A_39 : memref<632x128xf32, #tpu.memory_space<hbm>>) target(%dma_start3A_37 : memref<632x128xf32, #tpu.memory_space<vmem_shared>>) target_semaphore(%run_scoped3A_35 : memref<!tpu.dma_semaphore, #tpu.memory_space<semaphore_mem>>)
      %dma_wait3A_40 = arith.constant 0 : i32
      %dma_wait3A_41 = tpu.memref_slice %arg6[%mul3A_2, %dma_wait3A_40] : memref<10112x128xf32, #tpu.memory_space<vmem_shared>> -> memref<632x128xf32, #tpu.memory_space<vmem_shared>>
      %dma_wait3A_42 = arith.constant 0 : i32
      %dma_wait3A_43 = tpu.memref_slice %arg4[%mul3A_2, %dma_wait3A_42] : memref<10112x128xf32, #tpu.memory_space<hbm>> -> memref<632x128xf32, #tpu.memory_space<hbm>>
      tpu.wait_dma2 semaphore(%run_scoped3A_35 : memref<!tpu.dma_semaphore, #tpu.memory_space<semaphore_mem>>) src(%dma_wait3A_43 : memref<632x128xf32, #tpu.memory_space<hbm>>) dst(%dma_wait3A_41 : memref<632x128xf32, #tpu.memory_space<vmem_shared>>)
      tpu.yield
    }) : () -> ()
    %run_scoped3A = arith.constant 0 : i32
    "tpu.region"() ({
      %run_scoped3A_35 = tpu.sem_alloc : memref<!tpu.dma_semaphore, #tpu.memory_space<semaphore_mem>>
      %dma_start3A_36 = arith.constant 0 : i32
      %dma_start3A_37 = arith.constant 0 : i32
      %dma_start3A_38 = tpu.memref_slice %arg3[%add3A, %run_scoped3A, %dma_start3A_36, %dma_start3A_37] : memref<32x108x2x96xi32, #tpu.memory_space<hbm>> -> memref<1x1x2x96xi32, #tpu.memory_space<hbm>>
      %dma_start3A_39 = tpu.memref_squeeze %dma_start3A_38 : memref<1x1x2x96xi32, #tpu.memory_space<hbm>> -> memref<2x96xi32, #tpu.memory_space<hbm>>
      %dma_start3A_40 = arith.constant 0 : i32
      %dma_start3A_41 = arith.constant 0 : i32
      %dma_start3A_42 = tpu.memref_slice %arg3[%add3A, %run_scoped3A, %dma_start3A_40, %dma_start3A_41] : memref<32x108x2x96xi32, #tpu.memory_space<hbm>> -> memref<1x1x2x96xi32, #tpu.memory_space<hbm>>
      %dma_start3A_43 = tpu.memref_squeeze %dma_start3A_42 : memref<1x1x2x96xi32, #tpu.memory_space<hbm>> -> memref<2x96xi32, #tpu.memory_space<hbm>>
      tpu.enqueue_dma source(%dma_start3A_43 : memref<2x96xi32, #tpu.memory_space<hbm>>) target(%arg7 : memref<2x96xi32, #tpu.memory_space<vmem>>) target_semaphore(%run_scoped3A_35 : memref<!tpu.dma_semaphore, #tpu.memory_space<semaphore_mem>>)
      %dma_wait3A_44 = arith.constant 0 : i32
      %dma_wait3A_45 = arith.constant 0 : i32
      %dma_wait3A_46 = tpu.memref_slice %arg3[%add3A, %run_scoped3A, %dma_wait3A_44, %dma_wait3A_45] : memref<32x108x2x96xi32, #tpu.memory_space<hbm>> -> memref<1x1x2x96xi32, #tpu.memory_space<hbm>>
      %dma_wait3A_47 = tpu.memref_squeeze %dma_wait3A_46 : memref<1x1x2x96xi32, #tpu.memory_space<hbm>> -> memref<2x96xi32, #tpu.memory_space<hbm>>
      %dma_wait3A_48 = arith.constant 0 : i32
      %dma_wait3A_49 = arith.constant 0 : i32
      %dma_wait3A_50 = tpu.memref_slice %arg3[%add3A, %run_scoped3A, %dma_wait3A_48, %dma_wait3A_49] : memref<32x108x2x96xi32, #tpu.memory_space<hbm>> -> memref<1x1x2x96xi32, #tpu.memory_space<hbm>>
      %dma_wait3A_51 = tpu.memref_squeeze %dma_wait3A_50 : memref<1x1x2x96xi32, #tpu.memory_space<hbm>> -> memref<2x96xi32, #tpu.memory_space<hbm>>
      tpu.wait_dma2 semaphore(%run_scoped3A_35 : memref<!tpu.dma_semaphore, #tpu.memory_space<semaphore_mem>>) src(%dma_wait3A_51 : memref<2x96xi32, #tpu.memory_space<hbm>>) dst(%arg7 : memref<2x96xi32, #tpu.memory_space<vmem>>)
      tpu.yield
    }) : () -> ()
    %run_scoped3A_3 = arith.constant 1 : i32
    "tpu.region"() ({
      %run_scoped3A_35 = tpu.sem_alloc : memref<!tpu.dma_semaphore, #tpu.memory_space<semaphore_mem>>
      %dma_start3A_36 = arith.constant 0 : i32
      %dma_start3A_37 = arith.constant 0 : i32
      %dma_start3A_38 = tpu.memref_slice %arg3[%add3A, %run_scoped3A_3, %dma_start3A_36, %dma_start3A_37] : memref<32x108x2x96xi32, #tpu.memory_space<hbm>> -> memref<1x1x2x96xi32, #tpu.memory_space<hbm>>
      %dma_start3A_39 = tpu.memref_squeeze %dma_start3A_38 : memref<1x1x2x96xi32, #tpu.memory_space<hbm>> -> memref<2x96xi32, #tpu.memory_space<hbm>>
      %dma_start3A_40 = arith.constant 0 : i32
      %dma_start3A_41 = arith.constant 0 : i32
      %dma_start3A_42 = tpu.memref_slice %arg3[%add3A, %run_scoped3A_3, %dma_start3A_40, %dma_start3A_41] : memref<32x108x2x96xi32, #tpu.memory_space<hbm>> -> memref<1x1x2x96xi32, #tpu.memory_space<hbm>>
      %dma_start3A_43 = tpu.memref_squeeze %dma_start3A_42 : memref<1x1x2x96xi32, #tpu.memory_space<hbm>> -> memref<2x96xi32, #tpu.memory_space<hbm>>
      tpu.enqueue_dma source(%dma_start3A_43 : memref<2x96xi32, #tpu.memory_space<hbm>>) target(%arg8 : memref<2x96xi32, #tpu.memory_space<vmem>>) target_semaphore(%run_scoped3A_35 : memref<!tpu.dma_semaphore, #tpu.memory_space<semaphore_mem>>)
      %dma_wait3A_44 = arith.constant 0 : i32
      %dma_wait3A_45 = arith.constant 0 : i32
      %dma_wait3A_46 = tpu.memref_slice %arg3[%add3A, %run_scoped3A_3, %dma_wait3A_44, %dma_wait3A_45] : memref<32x108x2x96xi32, #tpu.memory_space<hbm>> -> memref<1x1x2x96xi32, #tpu.memory_space<hbm>>
      %dma_wait3A_47 = tpu.memref_squeeze %dma_wait3A_46 : memref<1x1x2x96xi32, #tpu.memory_space<hbm>> -> memref<2x96xi32, #tpu.memory_space<hbm>>
      %dma_wait3A_48 = arith.constant 0 : i32
      %dma_wait3A_49 = arith.constant 0 : i32
      %dma_wait3A_50 = tpu.memref_slice %arg3[%add3A, %run_scoped3A_3, %dma_wait3A_48, %dma_wait3A_49] : memref<32x108x2x96xi32, #tpu.memory_space<hbm>> -> memref<1x1x2x96xi32, #tpu.memory_space<hbm>>
      %dma_wait3A_51 = tpu.memref_squeeze %dma_wait3A_50 : memref<1x1x2x96xi32, #tpu.memory_space<hbm>> -> memref<2x96xi32, #tpu.memory_space<hbm>>
      tpu.wait_dma2 semaphore(%run_scoped3A_35 : memref<!tpu.dma_semaphore, #tpu.memory_space<semaphore_mem>>) src(%dma_wait3A_51 : memref<2x96xi32, #tpu.memory_space<hbm>>) dst(%arg8 : memref<2x96xi32, #tpu.memory_space<vmem>>)
      tpu.yield
    }) : () -> ()
    %dma_start3A = arith.constant 0 : i32
    %dma_start3A_4 = arith.constant 0 : i32
    %dma_start3A_5 = tpu.memref_slice %arg7[%dma_start3A, %dma_start3A_4] : memref<2x96xi32, #tpu.memory_space<vmem>> -> memref<1x96xi32, #tpu.memory_space<vmem>>
    %dma_start3A_6 = tpu.memref_squeeze %dma_start3A_5 : memref<1x96xi32, #tpu.memory_space<vmem>> -> memref<96xi32, #tpu.memory_space<vmem>>
    %dma_start3A_7 = arith.constant 0 : i32
    %dma_start3A_8 = arith.constant 0 : i32
    %dma_start3A_9 = tpu.memref_slice %arg2[%dma_start3A_7, %dma_start3A_8] : memref<10000x128xf32, #tpu.memory_space<hbm>> -> memref<10000x128xf32, #tpu.memory_space<hbm>>
    tpu.enqueue_indirect_dma source(%dma_start3A_9 : memref<10000x128xf32, #tpu.memory_space<hbm>>) target(%arg9 : memref<96x128xf32, #tpu.memory_space<vmem>>) offsets(%dma_start3A_6 : memref<96xi32, #tpu.memory_space<vmem>>) semaphore(%arg11 : memref<!tpu.dma_semaphore, #tpu.memory_space<semaphore_mem>>)
    %dma_start3A_10 = arith.constant 0 : i32
    %dma_start3A_11 = arith.constant 0 : i32
    %dma_start3A_12 = tpu.memref_slice %arg8[%dma_start3A_10, %dma_start3A_11] : memref<2x96xi32, #tpu.memory_space<vmem>> -> memref<1x96xi32, #tpu.memory_space<vmem>>
    %dma_start3A_13 = tpu.memref_squeeze %dma_start3A_12 : memref<1x96xi32, #tpu.memory_space<vmem>> -> memref<96xi32, #tpu.memory_space<vmem>>
    %dma_start3A_14 = arith.constant 0 : i32
    %dma_start3A_15 = arith.constant 0 : i32
    %dma_start3A_16 = tpu.memref_slice %arg2[%dma_start3A_14, %dma_start3A_15] : memref<10000x128xf32, #tpu.memory_space<hbm>> -> memref<10000x128xf32, #tpu.memory_space<hbm>>
    tpu.enqueue_indirect_dma source(%dma_start3A_16 : memref<10000x128xf32, #tpu.memory_space<hbm>>) target(%arg10 : memref<96x128xf32, #tpu.memory_space<vmem>>) offsets(%dma_start3A_13 : memref<96xi32, #tpu.memory_space<vmem>>) semaphore(%arg12 : memref<!tpu.dma_semaphore, #tpu.memory_space<semaphore_mem>>)
    %barrier3A = arith.constant 0 : index
    tpu.barrier barrier_id(%barrier3A)
    %scan3A = arith.constant 0 : i32
    %scan3A_17 = arith.constant 53 : i32
    %scan3A_18 = arith.addi %scan3A, %scan3A_17 : i32
    %scan3A_19 = arith.constant 1 : i32
    scf.for %scan3A_35 = %scan3A to %scan3A_18 step %scan3A_19  : i32 {
      %mul3A_36 = arith.constant 2 : i32
      %mul3A_37 = arith.muli %scan3A_35, %mul3A_36 : i32
      %add3A_38 = arith.constant 0 : i32
      %add3A_39 = arith.addi %add3A_38, %mul3A_37 : i32
      %dma_wait3A_40 = arith.constant 0 : i32
      %dma_wait3A_41 = arith.constant 0 : i32
      %dma_wait3A_42 = tpu.memref_slice %arg7[%dma_wait3A_40, %dma_wait3A_41] : memref<2x96xi32, #tpu.memory_space<vmem>> -> memref<1x96xi32, #tpu.memory_space<vmem>>
      %dma_wait3A_43 = tpu.memref_squeeze %dma_wait3A_42 : memref<1x96xi32, #tpu.memory_space<vmem>> -> memref<96xi32, #tpu.memory_space<vmem>>
      %dma_wait3A_44 = arith.constant 0 : i32
      %dma_wait3A_45 = arith.constant 0 : i32
      %dma_wait3A_46 = tpu.memref_slice %arg2[%dma_wait3A_44, %dma_wait3A_45] : memref<10000x128xf32, #tpu.memory_space<hbm>> -> memref<10000x128xf32, #tpu.memory_space<hbm>>
      tpu.wait_indirect_dma semaphore(%arg11 : memref<!tpu.dma_semaphore, #tpu.memory_space<semaphore_mem>>) src(%dma_wait3A_46 : memref<10000x128xf32, #tpu.memory_space<hbm>>) dst(%arg9 : memref<96x128xf32, #tpu.memory_space<vmem>>)
      %run_scoped3A_47 = arith.constant 1 : i32
      "tpu.region"() ({
        %run_scoped3A_108 = tpu.sem_alloc : memref<!tpu.dma_semaphore, #tpu.memory_space<semaphore_mem>>
        %dma_start3A_109 = arith.constant 0 : i32
        %dma_start3A_110 = tpu.memref_slice %arg7[%run_scoped3A_47, %dma_start3A_109] : memref<2x96xi32, #tpu.memory_space<vmem>> -> memref<1x96xi32, #tpu.memory_space<vmem>>
        %dma_start3A_111 = tpu.memref_squeeze %dma_start3A_110 : memref<1x96xi32, #tpu.memory_space<vmem>> -> memref<96xi32, #tpu.memory_space<vmem>>
        %dma_start3A_112 = arith.constant 0 : i32
        %dma_start3A_113 = arith.constant 0 : i32
        %dma_start3A_114 = tpu.memref_slice %arg6[%dma_start3A_112, %dma_start3A_113] : memref<10112x128xf32, #tpu.memory_space<vmem_shared>> -> memref<10112x128xf32, #tpu.memory_space<vmem_shared>>
        tpu.enqueue_indirect_dma source(%arg9 : memref<96x128xf32, #tpu.memory_space<vmem>>) target(%dma_start3A_114 : memref<10112x128xf32, #tpu.memory_space<vmem_shared>>) offsets(%dma_start3A_111 : memref<96xi32, #tpu.memory_space<vmem>>) semaphore(%run_scoped3A_108 : memref<!tpu.dma_semaphore, #tpu.memory_space<semaphore_mem>>) {add = true}
        %dma_wait3A_115 = arith.constant 0 : i32
        %dma_wait3A_116 = tpu.memref_slice %arg7[%run_scoped3A_47, %dma_wait3A_115] : memref<2x96xi32, #tpu.memory_space<vmem>> -> memref<1x96xi32, #tpu.memory_space<vmem>>
        %dma_wait3A_117 = tpu.memref_squeeze %dma_wait3A_116 : memref<1x96xi32, #tpu.memory_space<vmem>> -> memref<96xi32, #tpu.memory_space<vmem>>
        %dma_wait3A_118 = arith.constant 0 : i32
        %dma_wait3A_119 = arith.constant 0 : i32
        %dma_wait3A_120 = tpu.memref_slice %arg6[%dma_wait3A_118, %dma_wait3A_119] : memref<10112x128xf32, #tpu.memory_space<vmem_shared>> -> memref<10112x128xf32, #tpu.memory_space<vmem_shared>>
        tpu.wait_indirect_dma semaphore(%run_scoped3A_108 : memref<!tpu.dma_semaphore, #tpu.memory_space<semaphore_mem>>) src(%arg9 : memref<96x128xf32, #tpu.memory_space<vmem>>) dst(%dma_wait3A_120 : memref<10112x128xf32, #tpu.memory_space<vmem_shared>>)
        tpu.yield
      }) : () -> ()
      %add3A_48 = arith.constant 2 : i32
      %add3A_49 = arith.addi %add3A_39, %add3A_48 : i32
      %dma_start3A_50 = arith.constant 0 : i32
      %dma_start3A_51 = arith.constant 0 : i32
      %dma_start3A_52 = tpu.memref_slice %arg3[%add3A, %add3A_49, %dma_start3A_50, %dma_start3A_51] : memref<32x108x2x96xi32, #tpu.memory_space<hbm>> -> memref<1x1x2x96xi32, #tpu.memory_space<hbm>>
      %dma_start3A_53 = tpu.memref_squeeze %dma_start3A_52 : memref<1x1x2x96xi32, #tpu.memory_space<hbm>> -> memref<2x96xi32, #tpu.memory_space<hbm>>
      %dma_start3A_54 = arith.constant 0 : i32
      %dma_start3A_55 = arith.constant 0 : i32
      %dma_start3A_56 = tpu.memref_slice %arg3[%add3A, %add3A_49, %dma_start3A_54, %dma_start3A_55] : memref<32x108x2x96xi32, #tpu.memory_space<hbm>> -> memref<1x1x2x96xi32, #tpu.memory_space<hbm>>
      %dma_start3A_57 = tpu.memref_squeeze %dma_start3A_56 : memref<1x1x2x96xi32, #tpu.memory_space<hbm>> -> memref<2x96xi32, #tpu.memory_space<hbm>>
      tpu.enqueue_dma source(%dma_start3A_57 : memref<2x96xi32, #tpu.memory_space<hbm>>) target(%arg7 : memref<2x96xi32, #tpu.memory_space<vmem>>) target_semaphore(%arg13 : memref<!tpu.dma_semaphore, #tpu.memory_space<semaphore_mem>>)
      %dma_wait3A_58 = arith.constant 0 : i32
      %dma_wait3A_59 = arith.constant 0 : i32
      %dma_wait3A_60 = tpu.memref_slice %arg8[%dma_wait3A_58, %dma_wait3A_59] : memref<2x96xi32, #tpu.memory_space<vmem>> -> memref<1x96xi32, #tpu.memory_space<vmem>>
      %dma_wait3A_61 = tpu.memref_squeeze %dma_wait3A_60 : memref<1x96xi32, #tpu.memory_space<vmem>> -> memref<96xi32, #tpu.memory_space<vmem>>
      %dma_wait3A_62 = arith.constant 0 : i32
      %dma_wait3A_63 = arith.constant 0 : i32
      %dma_wait3A_64 = tpu.memref_slice %arg2[%dma_wait3A_62, %dma_wait3A_63] : memref<10000x128xf32, #tpu.memory_space<hbm>> -> memref<10000x128xf32, #tpu.memory_space<hbm>>
      tpu.wait_indirect_dma semaphore(%arg12 : memref<!tpu.dma_semaphore, #tpu.memory_space<semaphore_mem>>) src(%dma_wait3A_64 : memref<10000x128xf32, #tpu.memory_space<hbm>>) dst(%arg10 : memref<96x128xf32, #tpu.memory_space<vmem>>)
      %run_scoped3A_65 = arith.constant 1 : i32
      "tpu.region"() ({
        %run_scoped3A_108 = tpu.sem_alloc : memref<!tpu.dma_semaphore, #tpu.memory_space<semaphore_mem>>
        %dma_start3A_109 = arith.constant 0 : i32
        %dma_start3A_110 = tpu.memref_slice %arg8[%run_scoped3A_65, %dma_start3A_109] : memref<2x96xi32, #tpu.memory_space<vmem>> -> memref<1x96xi32, #tpu.memory_space<vmem>>
        %dma_start3A_111 = tpu.memref_squeeze %dma_start3A_110 : memref<1x96xi32, #tpu.memory_space<vmem>> -> memref<96xi32, #tpu.memory_space<vmem>>
        %dma_start3A_112 = arith.constant 0 : i32
        %dma_start3A_113 = arith.constant 0 : i32
        %dma_start3A_114 = tpu.memref_slice %arg6[%dma_start3A_112, %dma_start3A_113] : memref<10112x128xf32, #tpu.memory_space<vmem_shared>> -> memref<10112x128xf32, #tpu.memory_space<vmem_shared>>
        tpu.enqueue_indirect_dma source(%arg10 : memref<96x128xf32, #tpu.memory_space<vmem>>) target(%dma_start3A_114 : memref<10112x128xf32, #tpu.memory_space<vmem_shared>>) offsets(%dma_start3A_111 : memref<96xi32, #tpu.memory_space<vmem>>) semaphore(%run_scoped3A_108 : memref<!tpu.dma_semaphore, #tpu.memory_space<semaphore_mem>>) {add = true}
        %dma_wait3A_115 = arith.constant 0 : i32
        %dma_wait3A_116 = tpu.memref_slice %arg8[%run_scoped3A_65, %dma_wait3A_115] : memref<2x96xi32, #tpu.memory_space<vmem>> -> memref<1x96xi32, #tpu.memory_space<vmem>>
        %dma_wait3A_117 = tpu.memref_squeeze %dma_wait3A_116 : memref<1x96xi32, #tpu.memory_space<vmem>> -> memref<96xi32, #tpu.memory_space<vmem>>
        %dma_wait3A_118 = arith.constant 0 : i32
        %dma_wait3A_119 = arith.constant 0 : i32
        %dma_wait3A_120 = tpu.memref_slice %arg6[%dma_wait3A_118, %dma_wait3A_119] : memref<10112x128xf32, #tpu.memory_space<vmem_shared>> -> memref<10112x128xf32, #tpu.memory_space<vmem_shared>>
        tpu.wait_indirect_dma semaphore(%run_scoped3A_108 : memref<!tpu.dma_semaphore, #tpu.memory_space<semaphore_mem>>) src(%arg10 : memref<96x128xf32, #tpu.memory_space<vmem>>) dst(%dma_wait3A_120 : memref<10112x128xf32, #tpu.memory_space<vmem_shared>>)
        tpu.yield
      }) : () -> ()
      %add3A_66 = arith.constant 3 : i32
      %add3A_67 = arith.addi %add3A_39, %add3A_66 : i32
      %dma_start3A_68 = arith.constant 0 : i32
      %dma_start3A_69 = arith.constant 0 : i32
      %dma_start3A_70 = tpu.memref_slice %arg3[%add3A, %add3A_67, %dma_start3A_68, %dma_start3A_69] : memref<32x108x2x96xi32, #tpu.memory_space<hbm>> -> memref<1x1x2x96xi32, #tpu.memory_space<hbm>>
      %dma_start3A_71 = tpu.memref_squeeze %dma_start3A_70 : memref<1x1x2x96xi32, #tpu.memory_space<hbm>> -> memref<2x96xi32, #tpu.memory_space<hbm>>
      %dma_start3A_72 = arith.constant 0 : i32
      %dma_start3A_73 = arith.constant 0 : i32
      %dma_start3A_74 = tpu.memref_slice %arg3[%add3A, %add3A_67, %dma_start3A_72, %dma_start3A_73] : memref<32x108x2x96xi32, #tpu.memory_space<hbm>> -> memref<1x1x2x96xi32, #tpu.memory_space<hbm>>
      %dma_start3A_75 = tpu.memref_squeeze %dma_start3A_74 : memref<1x1x2x96xi32, #tpu.memory_space<hbm>> -> memref<2x96xi32, #tpu.memory_space<hbm>>
      tpu.enqueue_dma source(%dma_start3A_75 : memref<2x96xi32, #tpu.memory_space<hbm>>) target(%arg8 : memref<2x96xi32, #tpu.memory_space<vmem>>) target_semaphore(%arg14 : memref<!tpu.dma_semaphore, #tpu.memory_space<semaphore_mem>>)
      %dma_wait3A_76 = arith.constant 0 : i32
      %dma_wait3A_77 = arith.constant 0 : i32
      %dma_wait3A_78 = arith.constant 0 : i32
      %dma_wait3A_79 = tpu.memref_slice %arg3[%add3A, %dma_wait3A_76, %dma_wait3A_77, %dma_wait3A_78] : memref<32x108x2x96xi32, #tpu.memory_space<hbm>> -> memref<1x1x2x96xi32, #tpu.memory_space<hbm>>
      %dma_wait3A_80 = tpu.memref_squeeze %dma_wait3A_79 : memref<1x1x2x96xi32, #tpu.memory_space<hbm>> -> memref<2x96xi32, #tpu.memory_space<hbm>>
      %dma_wait3A_81 = arith.constant 0 : i32
      %dma_wait3A_82 = arith.constant 0 : i32
      %dma_wait3A_83 = tpu.memref_slice %arg3[%add3A, %dma_wait3A_76, %dma_wait3A_81, %dma_wait3A_82] : memref<32x108x2x96xi32, #tpu.memory_space<hbm>> -> memref<1x1x2x96xi32, #tpu.memory_space<hbm>>
      %dma_wait3A_84 = tpu.memref_squeeze %dma_wait3A_83 : memref<1x1x2x96xi32, #tpu.memory_space<hbm>> -> memref<2x96xi32, #tpu.memory_space<hbm>>
      tpu.wait_dma2 semaphore(%arg13 : memref<!tpu.dma_semaphore, #tpu.memory_space<semaphore_mem>>) src(%dma_wait3A_84 : memref<2x96xi32, #tpu.memory_space<hbm>>) dst(%arg7 : memref<2x96xi32, #tpu.memory_space<vmem>>)
      %dma_start3A_85 = arith.constant 0 : i32
      %dma_start3A_86 = arith.constant 0 : i32
      %dma_start3A_87 = tpu.memref_slice %arg7[%dma_start3A_85, %dma_start3A_86] : memref<2x96xi32, #tpu.memory_space<vmem>> -> memref<1x96xi32, #tpu.memory_space<vmem>>
      %dma_start3A_88 = tpu.memref_squeeze %dma_start3A_87 : memref<1x96xi32, #tpu.memory_space<vmem>> -> memref<96xi32, #tpu.memory_space<vmem>>
      %dma_start3A_89 = arith.constant 0 : i32
      %dma_start3A_90 = arith.constant 0 : i32
      %dma_start3A_91 = tpu.memref_slice %arg2[%dma_start3A_89, %dma_start3A_90] : memref<10000x128xf32, #tpu.memory_space<hbm>> -> memref<10000x128xf32, #tpu.memory_space<hbm>>
      tpu.enqueue_indirect_dma source(%dma_start3A_91 : memref<10000x128xf32, #tpu.memory_space<hbm>>) target(%arg9 : memref<96x128xf32, #tpu.memory_space<vmem>>) offsets(%dma_start3A_88 : memref<96xi32, #tpu.memory_space<vmem>>) semaphore(%arg11 : memref<!tpu.dma_semaphore, #tpu.memory_space<semaphore_mem>>)
      %dma_wait3A_92 = arith.constant 0 : i32
      %dma_wait3A_93 = arith.constant 0 : i32
      %dma_wait3A_94 = arith.constant 0 : i32
      %dma_wait3A_95 = tpu.memref_slice %arg3[%add3A, %dma_wait3A_92, %dma_wait3A_93, %dma_wait3A_94] : memref<32x108x2x96xi32, #tpu.memory_space<hbm>> -> memref<1x1x2x96xi32, #tpu.memory_space<hbm>>
      %dma_wait3A_96 = tpu.memref_squeeze %dma_wait3A_95 : memref<1x1x2x96xi32, #tpu.memory_space<hbm>> -> memref<2x96xi32, #tpu.memory_space<hbm>>
      %dma_wait3A_97 = arith.constant 0 : i32
      %dma_wait3A_98 = arith.constant 0 : i32
      %dma_wait3A_99 = tpu.memref_slice %arg3[%add3A, %dma_wait3A_92, %dma_wait3A_97, %dma_wait3A_98] : memref<32x108x2x96xi32, #tpu.memory_space<hbm>> -> memref<1x1x2x96xi32, #tpu.memory_space<hbm>>
      %dma_wait3A_100 = tpu.memref_squeeze %dma_wait3A_99 : memref<1x1x2x96xi32, #tpu.memory_space<hbm>> -> memref<2x96xi32, #tpu.memory_space<hbm>>
      tpu.wait_dma2 semaphore(%arg14 : memref<!tpu.dma_semaphore, #tpu.memory_space<semaphore_mem>>) src(%dma_wait3A_100 : memref<2x96xi32, #tpu.memory_space<hbm>>) dst(%arg8 : memref<2x96xi32, #tpu.memory_space<vmem>>)
      %dma_start3A_101 = arith.constant 0 : i32
      %dma_start3A_102 = arith.constant 0 : i32
      %dma_start3A_103 = tpu.memref_slice %arg8[%dma_start3A_101, %dma_start3A_102] : memref<2x96xi32, #tpu.memory_space<vmem>> -> memref<1x96xi32, #tpu.memory_space<vmem>>
      %dma_start3A_104 = tpu.memref_squeeze %dma_start3A_103 : memref<1x96xi32, #tpu.memory_space<vmem>> -> memref<96xi32, #tpu.memory_space<vmem>>
      %dma_start3A_105 = arith.constant 0 : i32
      %dma_start3A_106 = arith.constant 0 : i32
      %dma_start3A_107 = tpu.memref_slice %arg2[%dma_start3A_105, %dma_start3A_106] : memref<10000x128xf32, #tpu.memory_space<hbm>> -> memref<10000x128xf32, #tpu.memory_space<hbm>>
      tpu.enqueue_indirect_dma source(%dma_start3A_107 : memref<10000x128xf32, #tpu.memory_space<hbm>>) target(%arg10 : memref<96x128xf32, #tpu.memory_space<vmem>>) offsets(%dma_start3A_104 : memref<96xi32, #tpu.memory_space<vmem>>) semaphore(%arg12 : memref<!tpu.dma_semaphore, #tpu.memory_space<semaphore_mem>>)
    }
    %scan3A_20 = arith.constant 53 : i32
    %dma_wait3A = arith.constant 0 : i32
    %dma_wait3A_21 = arith.constant 0 : i32
    %dma_wait3A_22 = tpu.memref_slice %arg7[%dma_wait3A, %dma_wait3A_21] : memref<2x96xi32, #tpu.memory_space<vmem>> -> memref<1x96xi32, #tpu.memory_space<vmem>>
    %dma_wait3A_23 = tpu.memref_squeeze %dma_wait3A_22 : memref<1x96xi32, #tpu.memory_space<vmem>> -> memref<96xi32, #tpu.memory_space<vmem>>
    %dma_wait3A_24 = arith.constant 0 : i32
    %dma_wait3A_25 = arith.constant 0 : i32
    %dma_wait3A_26 = tpu.memref_slice %arg2[%dma_wait3A_24, %dma_wait3A_25] : memref<10000x128xf32, #tpu.memory_space<hbm>> -> memref<10000x128xf32, #tpu.memory_space<hbm>>
    tpu.wait_indirect_dma semaphore(%arg11 : memref<!tpu.dma_semaphore, #tpu.memory_space<semaphore_mem>>) src(%dma_wait3A_26 : memref<10000x128xf32, #tpu.memory_space<hbm>>) dst(%arg9 : memref<96x128xf32, #tpu.memory_space<vmem>>)
    %dma_wait3A_27 = arith.constant 0 : i32
    %dma_wait3A_28 = arith.constant 0 : i32
    %dma_wait3A_29 = tpu.memref_slice %arg8[%dma_wait3A_27, %dma_wait3A_28] : memref<2x96xi32, #tpu.memory_space<vmem>> -> memref<1x96xi32, #tpu.memory_space<vmem>>
    %dma_wait3A_30 = tpu.memref_squeeze %dma_wait3A_29 : memref<1x96xi32, #tpu.memory_space<vmem>> -> memref<96xi32, #tpu.memory_space<vmem>>
    %dma_wait3A_31 = arith.constant 0 : i32
    %dma_wait3A_32 = arith.constant 0 : i32
    %dma_wait3A_33 = tpu.memref_slice %arg2[%dma_wait3A_31, %dma_wait3A_32] : memref<10000x128xf32, #tpu.memory_space<hbm>> -> memref<10000x128xf32, #tpu.memory_space<hbm>>
    tpu.wait_indirect_dma semaphore(%arg12 : memref<!tpu.dma_semaphore, #tpu.memory_space<semaphore_mem>>) src(%dma_wait3A_33 : memref<10000x128xf32, #tpu.memory_space<hbm>>) dst(%arg10 : memref<96x128xf32, #tpu.memory_space<vmem>>)
    %barrier3A_34 = arith.constant 0 : index
    tpu.barrier barrier_id(%barrier3A_34)
    "tpu.region"() ({
      %run_scoped3A_35 = tpu.sem_alloc : memref<!tpu.dma_semaphore, #tpu.memory_space<semaphore_mem>>
      %dma_start3A_36 = arith.constant 0 : i32
      %dma_start3A_37 = arith.constant 0 : i32
      %dma_start3A_38 = tpu.memref_slice %arg5[%arg0, %dma_start3A_36, %dma_start3A_37] : memref<2x10112x128xf32, #tpu.memory_space<hbm>> -> memref<1x10112x128xf32, #tpu.memory_space<hbm>>
      %dma_start3A_39 = tpu.memref_squeeze %dma_start3A_38 : memref<1x10112x128xf32, #tpu.memory_space<hbm>> -> memref<10112x128xf32, #tpu.memory_space<hbm>>
      %dma_start3A_40 = arith.constant 0 : i32
      %dma_start3A_41 = tpu.memref_slice %dma_start3A_39[%mul3A_2, %dma_start3A_40] : memref<10112x128xf32, #tpu.memory_space<hbm>> -> memref<632x128xf32, #tpu.memory_space<hbm>>
      %dma_start3A_42 = arith.constant 0 : i32
      %dma_start3A_43 = tpu.memref_slice %arg6[%mul3A_2, %dma_start3A_42] : memref<10112x128xf32, #tpu.memory_space<vmem_shared>> -> memref<632x128xf32, #tpu.memory_space<vmem_shared>>
      tpu.enqueue_dma source(%dma_start3A_43 : memref<632x128xf32, #tpu.memory_space<vmem_shared>>) target(%dma_start3A_41 : memref<632x128xf32, #tpu.memory_space<hbm>>) target_semaphore(%run_scoped3A_35 : memref<!tpu.dma_semaphore, #tpu.memory_space<semaphore_mem>>)
      %dma_wait3A_44 = arith.constant 0 : i32
      %dma_wait3A_45 = arith.constant 0 : i32
      %dma_wait3A_46 = tpu.memref_slice %arg5[%arg0, %dma_wait3A_44, %dma_wait3A_45] : memref<2x10112x128xf32, #tpu.memory_space<hbm>> -> memref<1x10112x128xf32, #tpu.memory_space<hbm>>
      %dma_wait3A_47 = tpu.memref_squeeze %dma_wait3A_46 : memref<1x10112x128xf32, #tpu.memory_space<hbm>> -> memref<10112x128xf32, #tpu.memory_space<hbm>>
      %dma_wait3A_48 = arith.constant 0 : i32
      %dma_wait3A_49 = tpu.memref_slice %dma_wait3A_47[%mul3A_2, %dma_wait3A_48] : memref<10112x128xf32, #tpu.memory_space<hbm>> -> memref<632x128xf32, #tpu.memory_space<hbm>>
      %dma_wait3A_50 = arith.constant 0 : i32
      %dma_wait3A_51 = tpu.memref_slice %arg6[%mul3A_2, %dma_wait3A_50] : memref<10112x128xf32, #tpu.memory_space<vmem_shared>> -> memref<632x128xf32, #tpu.memory_space<vmem_shared>>
      tpu.wait_dma2 semaphore(%run_scoped3A_35 : memref<!tpu.dma_semaphore, #tpu.memory_space<semaphore_mem>>) src(%dma_wait3A_51 : memref<632x128xf32, #tpu.memory_space<vmem_shared>>) dst(%dma_wait3A_49 : memref<632x128xf32, #tpu.memory_space<hbm>>)
      tpu.yield
    }) : () -> ()
    return
  }
}

module attributes {stable_mosaic.version = 14 : i64} {
  func.func @_tc_layer1(%arg0: i32, %arg1: memref<2x1000x128xf32, #tpu.memory_space<vmem>>, %arg2: memref<2x1000x128xf32, #tpu.memory_space<vmem>>, %arg3: memref<1000x128xf32, #tpu.memory_space<vmem>>, %arg4: memref<128x128xf32, #tpu.memory_space<vmem>>, %arg5: memref<1x128xf32, #tpu.memory_space<vmem>>, %arg6: memref<128x128xf32, #tpu.memory_space<vmem>>, %arg7: memref<1000x128xf32, #tpu.memory_space<vmem>>) attributes {dimension_semantics = [#tpu.dimension_semantics<arbitrary>], iteration_bounds = array<i64: 10>, scalar_prefetch = 0 : i64, scratch_operands = 0 : i64, tpu.core_type = #tpu.core_type<tc>, window_params = [{transform_indices = @transform_0, window_bounds = array<i64: 2, 1000, 128>}, {transform_indices = @transform_1, window_bounds = array<i64: 2, 1000, 128>}, {transform_indices = @transform_2, window_bounds = array<i64: 1000, 128>}, {pipeline_mode = #tpu.pipeline_mode<synchronous>, transform_indices = @transform_3, window_bounds = array<i64: 128, 128>}, {pipeline_mode = #tpu.pipeline_mode<synchronous>, transform_indices = @transform_4, window_bounds = array<i64: 1, 128>}, {pipeline_mode = #tpu.pipeline_mode<synchronous>, transform_indices = @transform_5, window_bounds = array<i64: 128, 128>}, {transform_indices = @transform_6, window_bounds = array<i64: 1000, 128>}]} {
    %get3A = arith.constant 0 : index
    %get3A_0 = arith.constant 0 : index
    %get3A_1 = arith.constant 0 : index
    %get3A_2 = vector.load %arg2[%get3A, %get3A_0, %get3A_1] : memref<2x1000x128xf32, #tpu.memory_space<vmem>>, vector<1x1000x128xf32>
    %get3A_3 = vector.shape_cast %get3A_2 : vector<1x1000x128xf32> to vector<1000x128xf32>
    %slice3A = vector.extract_strided_slice %get3A_3 {offsets = [0, 0], sizes = [1000, 1], strides = [1, 1]} : vector<1000x128xf32> to vector<1000x1xf32>
    %get3A_4 = arith.constant 1 : index
    %get3A_5 = arith.constant 0 : index
    %get3A_6 = arith.constant 0 : index
    %get3A_7 = vector.load %arg2[%get3A_4, %get3A_5, %get3A_6] : memref<2x1000x128xf32, #tpu.memory_space<vmem>>, vector<1x1000x128xf32>
    %get3A_8 = vector.shape_cast %get3A_7 : vector<1x1000x128xf32> to vector<1000x128xf32>
    %slice3A_9 = vector.extract_strided_slice %get3A_8 {offsets = [0, 0], sizes = [1000, 1], strides = [1, 1]} : vector<1000x128xf32> to vector<1000x1xf32>
    %add3A = arith.addf %slice3A, %slice3A_9 : vector<1000x1xf32>
    %max3A = arith.constant 1.000000e+00 : f32
    %max3A_10 = vector.broadcast %max3A : f32 to vector<1000x1xf32>
    %max3A_11 = arith.maximumf %add3A, %max3A_10 : vector<1000x1xf32>
    %get3A_12 = arith.constant 0 : index
    %get3A_13 = arith.constant 0 : index
    %get3A_14 = arith.constant 0 : index
    %get3A_15 = vector.load %arg1[%get3A_12, %get3A_13, %get3A_14] : memref<2x1000x128xf32, #tpu.memory_space<vmem>>, vector<1x1000x128xf32>
    %get3A_16 = vector.shape_cast %get3A_15 : vector<1x1000x128xf32> to vector<1000x128xf32>
    %get3A_17 = arith.constant 1 : index
    %get3A_18 = arith.constant 0 : index
    %get3A_19 = arith.constant 0 : index
    %get3A_20 = vector.load %arg1[%get3A_17, %get3A_18, %get3A_19] : memref<2x1000x128xf32, #tpu.memory_space<vmem>>, vector<1x1000x128xf32>
    %get3A_21 = vector.shape_cast %get3A_20 : vector<1x1000x128xf32> to vector<1000x128xf32>
    %add3A_22 = arith.addf %get3A_16, %get3A_21 : vector<1000x128xf32>
    %div3A = vector.broadcast %max3A_11 : vector<1000x1xf32> to vector<1000x128xf32>
    %div3A_23 = arith.divf %add3A_22, %div3A : vector<1000x128xf32>
    %get3A_24 = arith.constant 0 : index
    %get3A_25 = arith.constant 0 : index
    %get3A_26 = vector.load %arg4[%get3A_24, %get3A_25] : memref<128x128xf32, #tpu.memory_space<vmem>>, vector<128x128xf32>
    %dot_general3A = arith.constant dense<0.000000e+00> : vector<1000x128xf32>
    %dot_general3A_27 = tpu.matmul %div3A_23, %get3A_26, %dot_general3A {dimension_numbers = #tpu.dot_dimension_numbers<[1], [1], [0], [0], [0, 0, 1, 0], [], []>, transpose_lhs_hint = false} : vector<1000x128xf32>, vector<128x128xf32>, vector<1000x128xf32> -> vector<1000x128xf32>
    %get3A_28 = arith.constant 0 : index
    %get3A_29 = arith.constant 0 : index
    %get3A_30 = vector.load %arg3[%get3A_28, %get3A_29] : memref<1000x128xf32, #tpu.memory_space<vmem>>, vector<1000x128xf32>
    %get3A_31 = arith.constant 0 : index
    %get3A_32 = arith.constant 0 : index
    %get3A_33 = vector.load %arg6[%get3A_31, %get3A_32] : memref<128x128xf32, #tpu.memory_space<vmem>>, vector<128x128xf32>
    %dot_general3A_34 = arith.constant dense<0.000000e+00> : vector<1000x128xf32>
    %dot_general3A_35 = tpu.matmul %get3A_30, %get3A_33, %dot_general3A_34 {dimension_numbers = #tpu.dot_dimension_numbers<[1], [1], [0], [0], [0, 0, 1, 0], [], []>, transpose_lhs_hint = false} : vector<1000x128xf32>, vector<128x128xf32>, vector<1000x128xf32> -> vector<1000x128xf32>
    %add3A_36 = arith.addf %dot_general3A_27, %dot_general3A_35 : vector<1000x128xf32>
    %get3A_37 = arith.constant 0 : index
    %get3A_38 = arith.constant 0 : index
    %get3A_39 = vector.load %arg5[%get3A_37, %get3A_38] : memref<1x128xf32, #tpu.memory_space<vmem>>, vector<1x128xf32>
    %add3A_40 = vector.broadcast %get3A_39 : vector<1x128xf32> to vector<1000x128xf32>
    %add3A_41 = arith.addf %add3A_36, %add3A_40 : vector<1000x128xf32>
    %max3A_42 = arith.constant 0.000000e+00 : f32
    %max3A_43 = vector.broadcast %max3A_42 : f32 to vector<1000x128xf32>
    %max3A_44 = arith.maximumf %add3A_41, %max3A_43 : vector<1000x128xf32>
    %swap3A = arith.constant 0 : index
    %swap3A_45 = arith.constant 0 : index
    %swap3A_46 = vector.load %arg7[%swap3A, %swap3A_45] : memref<1000x128xf32, #tpu.memory_space<vmem>>, vector<1000x128xf32>
    tpu.vector_store %arg7[%swap3A, %swap3A_45], %max3A_44 {strides = array<i32>} : memref<1000x128xf32, #tpu.memory_space<vmem>>, vector<1000x128xf32>,
    return
  }
  func.func @transform_0(%arg0: i32) -> (i32, i32, i32) {
    %c0_i32 = arith.constant 0 : i32
    %c0_i32_0 = arith.constant 0 : i32
    %c0_i32_1 = arith.constant 0 : i32
    return %c0_i32, %arg0, %c0_i32_0 : i32, i32, i32
  }
  func.func @transform_1(%arg0: i32) -> (i32, i32, i32) {
    %c0_i32 = arith.constant 0 : i32
    %c0_i32_0 = arith.constant 0 : i32
    %c0_i32_1 = arith.constant 0 : i32
    return %c0_i32, %arg0, %c0_i32_0 : i32, i32, i32
  }
  func.func @transform_2(%arg0: i32) -> (i32, i32) {
    %c0_i32 = arith.constant 0 : i32
    %c0_i32_0 = arith.constant 0 : i32
    return %arg0, %c0_i32 : i32, i32
  }
  func.func @transform_3(%arg0: i32) -> (i32, i32) {
    %c0_i32 = arith.constant 0 : i32
    %c0_i32_0 = arith.constant 0 : i32
    %c0_i32_1 = arith.constant 0 : i32
    return %c0_i32, %c0_i32_0 : i32, i32
  }
  func.func @transform_4(%arg0: i32) -> (i32, i32) {
    %c0_i32 = arith.constant 0 : i32
    %c0_i32_0 = arith.constant 0 : i32
    %c0_i32_1 = arith.constant 0 : i32
    return %c0_i32, %c0_i32_0 : i32, i32
  }
  func.func @transform_5(%arg0: i32) -> (i32, i32) {
    %c0_i32 = arith.constant 0 : i32
    %c0_i32_0 = arith.constant 0 : i32
    %c0_i32_1 = arith.constant 0 : i32
    return %c0_i32, %c0_i32_0 : i32, i32
  }
  func.func @transform_6(%arg0: i32) -> (i32, i32) {
    %c0_i32 = arith.constant 0 : i32
    %c0_i32_0 = arith.constant 0 : i32
    return %arg0, %c0_i32 : i32, i32
  }
}

module attributes {stable_mosaic.version = 14 : i64} {
  func.func @_tc_layer2(%arg0: i32, %arg1: memref<2x1000x128xf32, #tpu.memory_space<vmem>>, %arg2: memref<2x1000x128xf32, #tpu.memory_space<vmem>>, %arg3: memref<1000x128xf32, #tpu.memory_space<vmem>>, %arg4: memref<128x128xf32, #tpu.memory_space<vmem>>, %arg5: memref<1x128xf32, #tpu.memory_space<vmem>>, %arg6: memref<128x128xf32, #tpu.memory_space<vmem>>, %arg7: memref<1x128xf32, #tpu.memory_space<vmem>>, %arg8: memref<1x1xf32, #tpu.memory_space<vmem>>, %arg9: memref<1000x1xf32, #tpu.memory_space<vmem>>) attributes {dimension_semantics = [#tpu.dimension_semantics<arbitrary>], iteration_bounds = array<i64: 10>, scalar_prefetch = 0 : i64, scratch_operands = 0 : i64, tpu.core_type = #tpu.core_type<tc>, window_params = [{transform_indices = @transform_0, window_bounds = array<i64: 2, 1000, 128>}, {transform_indices = @transform_1, window_bounds = array<i64: 2, 1000, 128>}, {transform_indices = @transform_2, window_bounds = array<i64: 1000, 128>}, {pipeline_mode = #tpu.pipeline_mode<synchronous>, transform_indices = @transform_3, window_bounds = array<i64: 128, 128>}, {pipeline_mode = #tpu.pipeline_mode<synchronous>, transform_indices = @transform_4, window_bounds = array<i64: 1, 128>}, {pipeline_mode = #tpu.pipeline_mode<synchronous>, transform_indices = @transform_5, window_bounds = array<i64: 128, 128>}, {pipeline_mode = #tpu.pipeline_mode<synchronous>, transform_indices = @transform_6, window_bounds = array<i64: 1, 128>}, {pipeline_mode = #tpu.pipeline_mode<synchronous>, transform_indices = @transform_7, window_bounds = array<i64: 1, 1>}, {transform_indices = @transform_8, window_bounds = array<i64: 1000, 1>}]} {
    %get3A = arith.constant 0 : index
    %get3A_0 = arith.constant 0 : index
    %get3A_1 = arith.constant 0 : index
    %get3A_2 = vector.load %arg2[%get3A, %get3A_0, %get3A_1] : memref<2x1000x128xf32, #tpu.memory_space<vmem>>, vector<1x1000x128xf32>
    %get3A_3 = vector.shape_cast %get3A_2 : vector<1x1000x128xf32> to vector<1000x128xf32>
    %slice3A = vector.extract_strided_slice %get3A_3 {offsets = [0, 0], sizes = [1000, 1], strides = [1, 1]} : vector<1000x128xf32> to vector<1000x1xf32>
    %get3A_4 = arith.constant 1 : index
    %get3A_5 = arith.constant 0 : index
    %get3A_6 = arith.constant 0 : index
    %get3A_7 = vector.load %arg2[%get3A_4, %get3A_5, %get3A_6] : memref<2x1000x128xf32, #tpu.memory_space<vmem>>, vector<1x1000x128xf32>
    %get3A_8 = vector.shape_cast %get3A_7 : vector<1x1000x128xf32> to vector<1000x128xf32>
    %slice3A_9 = vector.extract_strided_slice %get3A_8 {offsets = [0, 0], sizes = [1000, 1], strides = [1, 1]} : vector<1000x128xf32> to vector<1000x1xf32>
    %add3A = arith.addf %slice3A, %slice3A_9 : vector<1000x1xf32>
    %max3A = arith.constant 1.000000e+00 : f32
    %max3A_10 = vector.broadcast %max3A : f32 to vector<1000x1xf32>
    %max3A_11 = arith.maximumf %add3A, %max3A_10 : vector<1000x1xf32>
    %get3A_12 = arith.constant 0 : index
    %get3A_13 = arith.constant 0 : index
    %get3A_14 = arith.constant 0 : index
    %get3A_15 = vector.load %arg1[%get3A_12, %get3A_13, %get3A_14] : memref<2x1000x128xf32, #tpu.memory_space<vmem>>, vector<1x1000x128xf32>
    %get3A_16 = vector.shape_cast %get3A_15 : vector<1x1000x128xf32> to vector<1000x128xf32>
    %get3A_17 = arith.constant 1 : index
    %get3A_18 = arith.constant 0 : index
    %get3A_19 = arith.constant 0 : index
    %get3A_20 = vector.load %arg1[%get3A_17, %get3A_18, %get3A_19] : memref<2x1000x128xf32, #tpu.memory_space<vmem>>, vector<1x1000x128xf32>
    %get3A_21 = vector.shape_cast %get3A_20 : vector<1x1000x128xf32> to vector<1000x128xf32>
    %add3A_22 = arith.addf %get3A_16, %get3A_21 : vector<1000x128xf32>
    %div3A = vector.broadcast %max3A_11 : vector<1000x1xf32> to vector<1000x128xf32>
    %div3A_23 = arith.divf %add3A_22, %div3A : vector<1000x128xf32>
    %get3A_24 = arith.constant 0 : index
    %get3A_25 = arith.constant 0 : index
    %get3A_26 = vector.load %arg4[%get3A_24, %get3A_25] : memref<128x128xf32, #tpu.memory_space<vmem>>, vector<128x128xf32>
    %dot_general3A = arith.constant dense<0.000000e+00> : vector<1000x128xf32>
    %dot_general3A_27 = tpu.matmul %div3A_23, %get3A_26, %dot_general3A {dimension_numbers = #tpu.dot_dimension_numbers<[1], [1], [0], [0], [0, 0, 1, 0], [], []>, transpose_lhs_hint = false} : vector<1000x128xf32>, vector<128x128xf32>, vector<1000x128xf32> -> vector<1000x128xf32>
    %get3A_28 = arith.constant 0 : index
    %get3A_29 = arith.constant 0 : index
    %get3A_30 = vector.load %arg3[%get3A_28, %get3A_29] : memref<1000x128xf32, #tpu.memory_space<vmem>>, vector<1000x128xf32>
    %get3A_31 = arith.constant 0 : index
    %get3A_32 = arith.constant 0 : index
    %get3A_33 = vector.load %arg6[%get3A_31, %get3A_32] : memref<128x128xf32, #tpu.memory_space<vmem>>, vector<128x128xf32>
    %dot_general3A_34 = arith.constant dense<0.000000e+00> : vector<1000x128xf32>
    %dot_general3A_35 = tpu.matmul %get3A_30, %get3A_33, %dot_general3A_34 {dimension_numbers = #tpu.dot_dimension_numbers<[1], [1], [0], [0], [0, 0, 1, 0], [], []>, transpose_lhs_hint = false} : vector<1000x128xf32>, vector<128x128xf32>, vector<1000x128xf32> -> vector<1000x128xf32>
    %add3A_36 = arith.addf %dot_general3A_27, %dot_general3A_35 : vector<1000x128xf32>
    %get3A_37 = arith.constant 0 : index
    %get3A_38 = arith.constant 0 : index
    %get3A_39 = vector.load %arg5[%get3A_37, %get3A_38] : memref<1x128xf32, #tpu.memory_space<vmem>>, vector<1x128xf32>
    %add3A_40 = vector.broadcast %get3A_39 : vector<1x128xf32> to vector<1000x128xf32>
    %add3A_41 = arith.addf %add3A_36, %add3A_40 : vector<1000x128xf32>
    %max3A_42 = arith.constant 0.000000e+00 : f32
    %max3A_43 = vector.broadcast %max3A_42 : f32 to vector<1000x128xf32>
    %max3A_44 = arith.maximumf %add3A_41, %max3A_43 : vector<1000x128xf32>
    %get3A_45 = arith.constant 0 : index
    %get3A_46 = arith.constant 0 : index
    %get3A_47 = vector.load %arg7[%get3A_45, %get3A_46] : memref<1x128xf32, #tpu.memory_space<vmem>>, vector<1x128xf32>
    %mul3A = vector.broadcast %get3A_47 : vector<1x128xf32> to vector<1000x128xf32>
    %mul3A_48 = arith.mulf %max3A_44, %mul3A : vector<1000x128xf32>
    %reduce_sum3A = arith.constant dense<0.000000e+00> : vector<1000xf32>
    %reduce_sum3A_49 = vector.multi_reduction <add>, %mul3A_48, %reduce_sum3A [1] : vector<1000x128xf32> to vector<1000xf32>
    %broadcast_in_dim3A = vector.shape_cast %reduce_sum3A_49 : vector<1000xf32> to vector<1000x1xf32>
    %get3A_50 = arith.constant 0 : index
    %get3A_51 = arith.constant 0 : index
    %get3A_52 = vector.load %arg8[%get3A_50, %get3A_51] : memref<1x1xf32, #tpu.memory_space<vmem>>, vector<1x1xf32>
    %add3A_53 = vector.broadcast %get3A_52 : vector<1x1xf32> to vector<1000x1xf32>
    %add3A_54 = arith.addf %broadcast_in_dim3A, %add3A_53 : vector<1000x1xf32>
    %logistic3A = arith.negf %add3A_54 : vector<1000x1xf32>
    %logistic3A_55 = math.exp %logistic3A : vector<1000x1xf32>
    %logistic3A_56 = arith.constant 1.000000e+00 : f32
    %logistic3A_57 = vector.broadcast %logistic3A_56 : f32 to vector<1000x1xf32>
    %logistic3A_58 = arith.addf %logistic3A_57, %logistic3A_55 : vector<1000x1xf32>
    %logistic3A_59 = arith.divf %logistic3A_57, %logistic3A_58 : vector<1000x1xf32>
    %swap3A = arith.constant 0 : index
    %swap3A_60 = arith.constant 0 : index
    %swap3A_61 = vector.load %arg9[%swap3A, %swap3A_60] : memref<1000x1xf32, #tpu.memory_space<vmem>>, vector<1000x1xf32>
    tpu.vector_store %arg9[%swap3A, %swap3A_60], %logistic3A_59 {strides = array<i32>} : memref<1000x1xf32, #tpu.memory_space<vmem>>, vector<1000x1xf32>,
    return
  }
  func.func @transform_0(%arg0: i32) -> (i32, i32, i32) {
    %c0_i32 = arith.constant 0 : i32
    %c0_i32_0 = arith.constant 0 : i32
    %c0_i32_1 = arith.constant 0 : i32
    return %c0_i32, %arg0, %c0_i32_0 : i32, i32, i32
  }
  func.func @transform_1(%arg0: i32) -> (i32, i32, i32) {
    %c0_i32 = arith.constant 0 : i32
    %c0_i32_0 = arith.constant 0 : i32
    %c0_i32_1 = arith.constant 0 : i32
    return %c0_i32, %arg0, %c0_i32_0 : i32, i32, i32
  }
  func.func @transform_2(%arg0: i32) -> (i32, i32) {
    %c0_i32 = arith.constant 0 : i32
    %c0_i32_0 = arith.constant 0 : i32
    return %arg0, %c0_i32 : i32, i32
  }
  func.func @transform_3(%arg0: i32) -> (i32, i32) {
    %c0_i32 = arith.constant 0 : i32
    %c0_i32_0 = arith.constant 0 : i32
    %c0_i32_1 = arith.constant 0 : i32
    return %c0_i32, %c0_i32_0 : i32, i32
  }
  func.func @transform_4(%arg0: i32) -> (i32, i32) {
    %c0_i32 = arith.constant 0 : i32
    %c0_i32_0 = arith.constant 0 : i32
    %c0_i32_1 = arith.constant 0 : i32
    return %c0_i32, %c0_i32_0 : i32, i32
  }
  func.func @transform_5(%arg0: i32) -> (i32, i32) {
    %c0_i32 = arith.constant 0 : i32
    %c0_i32_0 = arith.constant 0 : i32
    %c0_i32_1 = arith.constant 0 : i32
    return %c0_i32, %c0_i32_0 : i32, i32
  }
  func.func @transform_6(%arg0: i32) -> (i32, i32) {
    %c0_i32 = arith.constant 0 : i32
    %c0_i32_0 = arith.constant 0 : i32
    %c0_i32_1 = arith.constant 0 : i32
    return %c0_i32, %c0_i32_0 : i32, i32
  }
  func.func @transform_7(%arg0: i32) -> (i32, i32) {
    %c0_i32 = arith.constant 0 : i32
    %c0_i32_0 = arith.constant 0 : i32
    %c0_i32_1 = arith.constant 0 : i32
    return %c0_i32, %c0_i32_0 : i32, i32
  }
  func.func @transform_8(%arg0: i32) -> (i32, i32) {
    %c0_i32 = arith.constant 0 : i32
    %c0_i32_0 = arith.constant 0 : i32
    return %arg0, %c0_i32 : i32, i32
  }
}

</mosaic_0001>

<sc_bundles>
// kernel: kernel.10.cloned.1.call-start
scs
__scs_entry_jumppad:
0x0: {  	(pc) =	sbr.rel $0x88, $3  }
0x1: {  	(tag) =	ssettag $0x0;
	lr =	simm.s32 $0x1  }
0x2: {  	[smem:$0x3F97] =	sst lr;
	_ =	strace $0xD0000000  }
0x3: {  	_ = 	snop  }
0x4: {  	_ = 	snop  }
0x5: {  	_ = 	snop  }
0x6: {  	_ = 	snop  }
0x7: {  	_ = 	snop  }
__scs_overlays_trampoline_lowered:
0x8: {  	[smem:$0x3FA6] =	sst s0  }
0x9: {  	[smem:$0x3FA7] =	sst s1  }
0xa: {  	[smem:$0x3FA8] =	sst s2  }
0xb: {  	[smem:$0x3FA9] =	sst s3  }
0xc: {  	[smem:$0x3FAA] =	sst s4  }
0xd: {  	[smem:$0x3FAB] =	sst s5  }
0xe: {  	[smem:$0x3FAC] =	sst s6  }
0xf: {  	[smem:$0x3FAD] =	sst s7  }
0x10: {  	[smem:$0x3FAE] =	sst s8  }
0x11: {  	[smem:$0x3FAF] =	sst s9;
	s0 =	simm.s32 @!p0 $0x0  }
0x12: {  	s1 =	sld [smem:$0x3F95];
	s0 =	simm.s32 @p0 $0x1  }
0x13: {  	[smem:$0x3FB0] =	sst s0;
	s0 =	simm.s32 @!p1 $0x0  }
0x14: {  	s2 =	sld [smem:$0x3F94];
	s0 =	simm.s32 @p1 $0x1  }
0x15: {  	[smem:$0x3FB1] =	sst s0;
	s0 =	simm.s32 @!p2 $0x0  }
0x16: {  	s3 =	sld [smem:$0x3FDB];
	s0 =	simm.s32 @p2 $0x1  }
0x17: {  	s4 =	simm.s32 $0x1BF5;
	[smem:$0x3FB3] =	sst s0  }
0x18: {  	s0 =	sld [smem:$0x3F96];
	_ =	swait.ge [sflag:s4], $0x0  }
0x19: {  	s7 =	sld [smem:$0x3F97]  }
0x1a: {  	s8 =	sadd.s32 $0xFFFFE003, lr  }
0x1b: {  	s9 =	sadd.s32 $0xFFFFFEF7, lr;
	s5 =	simm.s32 $0xFFFFFFFF;
	p2 =	slt.u32 s8, $0xFFFFF086  }
0x1c: {  	p1 =	slt.u32 s9, $0xF7A;
	s5 =	simm.s32 @!p2 $0x0  }
0x1d: {  	s5 =	simm.s32 @p1 $0x1;
	p0 =	seq.s32 s7, s2  }
0x1e: {  	s7 =	smul.u32 @!p0 $0xF7A, s2;
	p2 =	seq.s32 @!p0 s5, $0x0  }
0x1f: {  	s9 =	smul.u32 $0xF7A, s1;
	s8 =	simm.s32 @!p0 $0x1BF5;
	p2 =	por !p2, p0  }
0x20: {  	[sflag:s8] =	ssyncset.s32 @!p0 $0xFFFFF086;
	s6 =	sadd.s32 @!p0 s3, s7;
	s7 =	simm.s32 @!p0 $0x108  }
0x21: {  	s3 =	sadd.s32 s3, s9;
	s6 =	sadd.s32 @!p0 $0x88, s6;
	s7 =	simm.s32 @p2 $0x1082  }
0x22: {  	[simem:s7], [sflag:s8] =	dma.local @!p0 [hbm:s6], $0xF7A  }
0x23: {  	s9 =	sor.u32 $0xD0000000, s2;
	s6 =	simm.s32 $0x108;
	_ =	swait.ge @!p0 [sflag:s8], $0x0  }
0x24: {  	s3 =	sadd.s32 $0x88, s3;
	s6 =	simm.s32 @!p1 $0x1082;
	[sflag:s4] =	ssyncset.s32 $0xFFFFF086  }
0x25: {  	[simem:s6], [sflag:s4] =	dma.local [hbm:s3], $0xF7A  }
0x26: {  	[smem:$0x3F97] =	sst s1;
	(tag) =	ssettag s2;
	_ =	strace s9  }
0x27: {  	s1 =	sld [smem:$0x3FA7]  }
0x28: {  	s2 =	sld [smem:$0x3FA8]  }
0x29: {  	s4 =	sld [smem:$0x3FAA]  }
0x2a: {  	p0 =	seq.s32 s5, $0x0;
	s5 =	sld [smem:$0x3FAB]  }
0x2b: {  	s6 =	sld [smem:$0x3FAC]  }
0x2c: {  	s7 =	sld [smem:$0x3FAD]  }
0x2d: {  	s3 =	simm.s32 $0x108;
	s8 =	sld [smem:$0x3FAE]  }
0x2e: {  	s3 =	simm.s32 @!p0 $0x1082;
	s9 =	sld [smem:$0x3FAF]  }
0x2f: {  	lr =	sadd.s32 s0, s3;
	s0 =	sld [smem:$0x3FA6]  }
0x30: {  	s3 =	sld [smem:$0x3FA9]  }
0x31: {  	[smem:$0x3FB2] =	sst s10  }
0x32: {  	s10 =	sld [smem:$0x3FB0];
	_ =	sdelay $0x3  }
0x33: {  	p0 =	seq.s32 s10, $0x1;
	s10 =	sld [smem:$0x3FB2];
	_ =	sdelay $0x3  }
0x34: {  	[smem:$0x3FB2] =	sst s10  }
0x35: {  	s10 =	sld [smem:$0x3FB1];
	_ =	sdelay $0x3  }
0x36: {  	p1 =	seq.s32 s10, $0x1;
	s10 =	sld [smem:$0x3FB2];
	_ =	sdelay $0x3  }
0x37: {  	[smem:$0x3FB2] =	sst s10  }
0x38: {  	s10 =	sld [smem:$0x3FB3]  }
0x39: {  	_ = 	snop;
	(pc) =	sbr.ind lr, $3  }
0x3a: {  	_ = 	snop  }
0x3b: {  	_ = 	snop  }
0x3c: {  	p2 =	seq.s32 s10, $0x1;
	s10 =	sld [smem:$0x3FB2]  }
0x3d: {  	_ =	shalt  }
0x3e: {  	_ =	shalt  }
0x3f: {  	_ =	shalt  }
0x40: {  	_ =	shalt  }
0x41: {  	_ =	shalt  }
0x42: {  	_ =	shalt  }
0x43: {  	_ =	shalt  }
0x44: {  	_ =	shalt  }
0x45: {  	_ =	shalt  }
0x46: {  	_ =	shalt  }
0x47: {  	_ =	shalt  }
0x48: {  	_ =	shalt  }
0x49: {  	_ =	shalt  }
0x4a: {  	_ =	shalt  }
0x4b: {  	_ =	shalt  }
0x4c: {  	_ =	shalt  }
0x4d: {  	_ =	shalt  }
0x4e: {  	_ =	shalt  }
0x4f: {  	_ =	shalt  }
0x50: {  	_ =	shalt  }
0x51: {  	_ =	shalt  }
0x52: {  	_ =	shalt  }
0x53: {  	_ =	shalt  }
0x54: {  	_ =	shalt  }
0x55: {  	_ =	shalt  }
0x56: {  	_ =	shalt  }
0x57: {  	_ =	shalt  }
0x58: {  	_ =	shalt  }
0x59: {  	_ =	shalt  }
0x5a: {  	_ =	shalt  }
0x5b: {  	_ =	shalt  }
0x5c: {  	_ =	shalt  }
0x5d: {  	_ =	shalt  }
0x5e: {  	_ =	shalt  }
0x5f: {  	_ =	shalt  }
0x60: {  	_ =	shalt  }
0x61: {  	_ =	shalt  }
0x62: {  	_ =	shalt  }
0x63: {  	_ =	shalt  }
0x64: {  	_ =	shalt  }
0x65: {  	_ =	shalt  }
0x66: {  	_ =	shalt  }
0x67: {  	_ =	shalt  }
0x68: {  	_ =	shalt  }
0x69: {  	_ =	shalt  }
0x6a: {  	_ =	shalt  }
0x6b: {  	_ =	shalt  }
0x6c: {  	_ =	shalt  }
0x6d: {  	_ =	shalt  }
0x6e: {  	_ =	shalt  }
0x6f: {  	_ =	shalt  }
0x70: {  	_ =	shalt  }
0x71: {  	_ =	shalt  }
0x72: {  	_ =	shalt  }
0x73: {  	_ =	shalt  }
0x74: {  	_ =	shalt  }
0x75: {  	_ =	shalt  }
0x76: {  	_ =	shalt  }
0x77: {  	_ =	shalt  }
0x78: {  	_ =	shalt  }
0x79: {  	_ =	shalt  }
0x7a: {  	_ =	shalt  }
0x7b: {  	_ =	shalt  }
0x7c: {  	_ =	shalt  }
0x7d: {  	_ =	shalt  }
0x7e: {  	_ =	shalt  }
0x7f: {  	_ =	shalt  }
0x80: {  	_ =	shalt  }
0x81: {  	_ =	shalt  }
0x82: {  	_ =	shalt  }
0x83: {  	_ =	shalt  }
0x84: {  	_ =	shalt  }
0x85: {  	_ =	shalt  }
0x86: {  	_ =	shalt  }
0x87: {  	_ =	shalt  }
.Lfunc_end0:
.L_simem_size_0:
called_computation.1_lowered:
.L_overlay_start_0:
0x88: {  	s2 =	sld [smem:$0x3FD9]  }
0x89: {  	s3 =	sld [smem:$0x3FFE];
	_ =	sdelay $0x1  }
0x8a: {  	s1 =	srdreg.scid  }
0x8b: {  	s0 =	sand.u32 $0x1, s1  }
0x8c: {  	s17 =	sshll.u32 s0, $0xA;
	s2 =	sadd.s32 s3, s2  }
0x8d: {  	s2 =	sadd.s32 s2, s17  }
0x8e: {  	[smem:$0x3FBE] =	sst s2  }
0x8f: {  	_ = 	snop  }
0x90: {  	s18 =	sld [smem:$0x3FC9];
	(tm) =	ssettm $0x1  }
0x91: {  	s19 =	sld [smem:$0x3FFB];
	_ =	sdelay $0x3  }
0x92: {  	_ =	strace s19  }
0x93: {  	s2 =	sld [smem:$0x3FFC];
	_ =	sdelay $0x3  }
0x94: {  	_ =	strace s2  }
0x95: {  	s2 =	sld [smem:$0x3FFD];
	_ =	sdelay $0x3  }
0x96: {  	_ =	strace s2  }
0x97: {  	_ =	strace $0x8FFFFFFF  }
0x98: {  	s20 =	sld [smem:$0x3FDB];
	_ =	sdelay $0x1  }
0x99: {  	s4 =	simm.s32 $_scs_section_size  }
0x9a: {  	s5 =	simm.s32 $_size__tile_overlayer_lowered;
	s6 =	simm.s32 $_tile_overlayer_lowered  }
0x9b: {  	s7 =	simm.s32 $0x1BFF;
	s21 =	sshll.u32 s6, $0x1;
	s4 =	sadd.s32 s4, s20  }
0x9c: {  	s22 =	simm.s32 $0x0;
	s5 =	sshll.u32 s5, $0x1;
	s6 =	sadd.s32 s21, s4  }
0x9d: {  	[timem:s22], [sflag:s7] =	dma.local [hbm:s6], s5  }
0x9e: {  	_ =	swait.ge [sflag:s7], s5  }
0x9f: {  	s5 =	ssub.s32 $0x0, s5;
	[sflag:s7] =	ssyncset.done $0x0  }
0xa0: {  	[sflag:s7] =	ssyncadd.s32 s5;
	_ =	sdelay $0x1  }
0xa1: {  	s23 =	simm.s32 $0x1B8B  }
0xa2: {  	_ =	swait.ge [sflag:s23], $0x1  }
0xa3: {  	[sflag:s23] =	ssyncset.done $0x0  }
0xa4: {  	[sflag:s23] =	ssyncadd.s32 $0xFFFFFFFF  }
0xa5: {  	s5 =	sld [smem:$0x0]  }
0xa6: {  	s6 =	sand.u32 $0xFFFFFFFE, s1  }
0xa7: {  	p0 =	sne.s32 s1, s6  }
0xa8: {  	s6 =	sshll.u32 @p0 s6, $0xE  }
0xa9: {  	s6 =	sadd.s32 @p0 $0x11B8D, s6;
	s7 =	sshll.u32 @p0 s5, $0x11  }
0xaa: {  	s6 =	sor.u32 @p0 s7, s6  }
0xab: {  	[sflag:s6] =	ssyncadd.remote.s32 @p0 $0x1;
	_ =	sdelay $0x1  }
0xac: {  	s6 =	simm.s32 @p0 $0x1B8D  }
0xad: {  	_ =	swait.eq @p0 [sflag:s6], $0x1  }
0xae: {  	[sflag:s6] =	ssyncadd.s32 @p0 $0xFFFFFFFF  }
0xaf: {  	s7 =	sshll.u32 @!p0 s1, $0xE  }
0xb0: {  	s7 =	sor.u32 @!p0 $0x4000, s7;
	s6 =	simm.s32 @!p0 $0x1B8D  }
0xb1: {  	s5 =	sshll.u32 @!p0 s5, $0x11;
	s7 =	sadd.s32 @!p0 $0x11B8D, s7;
	_ =	swait.eq @!p0 [sflag:s6], $0x1  }
0xb2: {  	s5 =	sor.u32 @!p0 s5, s7;
	[sflag:s6] =	ssyncadd.s32 @!p0 $0xFFFFFFFF  }
0xb3: {  	s25 =	simm.s32 $0x1B8E;
	s24 =	sld [smem:$0x3FFE];
	[sflag:s5] =	ssyncadd.remote.s32 @!p0 $0x1  }
0xb4: {  	s26 =	simm.s32 $execute0_lowered;
	[smem:$0x3FD2] =	sst s25  }
0xb5: {  	s6 =	sshll.u32 s26, $0x1;
	_ =	strace $0x80000049;
	[dreg:$0x1] =	wrdreg $0xFFFFFFFF  }
0xb6: {  	s28 =	simm.s32 $_size_execute0_lowered;
	s4 =	sadd.s32 s4, s6;
	[dreg:$0x0] =	wrdreg $0x0  }
0xb7: {  	s6 =	sshll.u32 s28, $0x1;
	[dreg:$0x2] =	wrdreg s4  }
0xb8: {  	[dreg:$0x3] =	wrdreg s6  }
0xb9: {  	[dreg:$0x4] =	wrdreg $0xC0  }
0xba: {  	_ =	task [dreg:s22], $0x5FFFF  }
0xbb: {  	[dreg:$0x1] =	wrdreg $0xFFFFFFFF  }
0xbc: {  	[dreg:$0x0] =	wrdreg $0x60  }
0xbd: {  	[dreg:$0x2] =	wrdreg s18  }
0xbe: {  	[dreg:$0x3] =	wrdreg s24  }
0xbf: {  	[dreg:$0x4] =	wrdreg $0x0  }
0xc0: {  	[dreg:$0x5] =	wrdreg $0xA  }
0xc1: {  	_ =	task.clear_ibuf [dreg:s22], $0x6FFFF;
	_ =	strace $0x90000049  }
0xc2: {  	s29 =	simm.s32 $0xA;
	_ =	strace $0x8000004B  }
0xc3: {  	_ =	swait.ge [sflag:s29], $0x1  }
0xc4: {  	[sflag:s29] =	ssyncadd.s32 $0xFFFFFFFF  }
0xc5: {  	_ =	strace $0x9000004B  }
0xc6: {  	_ =	sfence  }
0xc7: {  	s30 =	sld [smem:$0x0];
	_ =	sdelay $0x2  }
0xc8: {  	s31 =	sshll.u32 s1, $0xD;
	s1 =	sshrl.u32 s1, $0x2  }
0xc9: {  	s4 =	sand.u32 $0x4000, s31;
	s1 =	sadd.s32 s1, s30  }
0xca: {  	s0 =	sor.u32 s4, s0;
	s1 =	sshll.u32 s1, $0x11  }
0xcb: {  	s0 =	sor.u32 s1, s0  }
0xcc: {  	s0 =	sadd.s32 $0x8F2B, s0  }
0xcd: {  	[sflag:s0] =	ssyncadd.remote.s32 $0x1  }
0xce: {  	_ =	sfence.sel $0xFFFF  }
0xcf: {  	[dreg:$0x0] =	wrdreg $0xFFFFFFFF;
	(pc) =	sbr.abs _section_cstart, $3  }
0xd0: {  	[dreg:$0x1] =	wrdreg $0xFFFFFFFF  }
0xd1: {  	_ =	task.clear_ibuf [dreg:s22], $0x2FFFF;
	_ =	strace $0x9FFFFFFF  }
0xd2: {  	(tm) =	ssettm $0x7FFFFFFF  }
0xd3: {  	_ =	shalt  }
tec
execute0_lowered:
.L_overlay_start_1:
0x0: {  	(tag) =	ssettag $0x1  }
0x1: {  	s1 =	rddreg [dreg:$0x0]  }
0x2: {  	s5 =	rddreg [dreg:$0x1]  }
0x3: {  	s3 =	rddreg [dreg:$0x2]  }
0x4: {  	s0 =	rddreg [dreg:$0x3];
	s4 =	simm.s32 $0x0  }
0x5: {  	s2 =	stileid.u32;
	s6 =	srdreg.scid;
	s16 =	simm.s32 $0x60  }
0x6: {  	s17 =	simm.s32 $0x13E00;
	s18 =	simm.s32 $0x16E00;
	s19 =	simm.s32 $0x1  }
0x7: {  	s20 =	simm.s32 $0x13C80;
	s21 =	simm.s32 $0x2;
	s24 =	smul.u32 $0x2780, s2  }
0x8: {  	[smem:$0x7FF] =	sst s4;
	s6 =	sand.u32 $0x1, s6;
	s10 =	smul.u32 $0x4F000, s2  }
0x9: {  	s11 =	sadd.s32 $0x8EA00, s5;
	s26 =	smul.u32 $0x6C00, s2;
	s28 =	sshll.u32 s2, $0x6  }
0xa: {  	_ =	strace $0x8000004A;
	s7 =	smul.u32 $0x27800, s6;
	s8 =	sshll.u32 s6, $0x4  }
0xb: {  	s22 =	ssub.s32 $0x2, s6;
	s13 =	smul.u32 $0x6C000, s6;
	s6 =	sor.u32 $0x1C05, s28  }
0xc: {  	s9 =	sadd.s32 s24, s5;
	s8 =	sor.u32 s2, s8;
	s25 =	sshrl.u32 s22, $0x1  }
0xd: {  	s10 =	sshrl.u32 s10, $0x2;
	s12 =	sadd.s32 s7, s5;
	s23 =	smul.u32 $0x6C00, s8  }
0xe: {  	s14 =	ssub.s32 s22, s25;
	s15 =	sadd.s32 s10, s3;
	s5 =	sadd.s32 $0x18200, s9  }
0xf: {  	s29 =	sadd.s32 s26, s13;
	s13 =	simm.s32 $0x5;
	s22 =	simm.s32 $0x13D80  }
0x10: {  	s26 =	simm.s32 $0x0;
	s30 =	sor.u32 $0x300, s29;
	s9 =	sor.u32 $0x200, s29  }
0x11: {  	s25 =	sadd.s32 $0xA9A00, s12;
	s12 =	sshrl.u32 s15, $0x3;
	s15 =	simm.s32 $0x13D00  }
0x12: {  	s7 =	sshrl.u32 s23, $0x3;
	s10 =	sshrl.u32 s30, $0x3;
	s31 =	sshrl.u32 s9, $0x3  }
0x13: {  	s9 =	smax.u32 s14, $0x1;
	s14 =	simm.s32 $0x13C00;
	s23 =	simm.s32 $0x3  }
0x14: {  	s24 =	sadd.s32 s24, s25;
	s25 =	simm.s32 $0x4;
	s7 =	sadd.s32 s11, s7  }
0x15: {  	s10 =	sadd.s32 s10, s11;
	s11 =	sadd.s32 s31, s11;
	s8 =	sadd.s32 $0x20, s7  }
.LBB2_1:
0x16: {  	[spmem:s12], [sflag:s6] =	dma.local [hbm:s5], $0x2780  }
0x17: {  	_ =	swait.ge [sflag:s13], $0x2780  }
0x18: {  	[sflag:s13] =	ssyncset.done $0x0  }
0x19: {  	[sflag:s13] =	ssyncadd.s32 $0xFFFFD880  }
0x1a: {  	[tilespmem:s14], [sflag:$0x5] =	stream.linear.gather [hbm4b:s7+s4], $0x100, $0x38;
	[tilespmem:$0x19E00] =	vst v63  }
0x1b: {  	_ =	swait.ge [sflag:s13], $0x100  }
0x1c: {  	[sflag:s13] =	ssyncset.done $0x0  }
0x1d: {  	[sflag:s13] =	ssyncadd.s32 $0xFFFFFF00  }
0x1e: {  	[tilespmem:s15], [sflag:$0x5] =	stream.linear.gather [hbm4b:s8+s4], $0x100, $0x38;
	[tilespmem:$0x19E00] =	vst v63  }
0x1f: {  	_ =	swait.ge [sflag:s13], $0x100  }
0x20: {  	[sflag:s13] =	ssyncset.done $0x0  }
0x21: {  	[sflag:s13] =	ssyncadd.s32 $0xFFFFFF00  }
0x22: {  	[tilespmem:s17], [sflag:$0x1] =	stream.indirect.gather [hbm4b:s1+s16], $0x80, s14, s16, $0xb8;
	[tilespmem:$0x19E00] =	vst v63  }
0x23: {  	_ = 	snop  }
0x24: {  	[tilespmem:s18], [sflag:$0x2] =	stream.indirect.gather [hbm4b:s1+s16], $0x80, s15, s16, $0xb8;
	[tilespmem:$0x19E00] =	vst v63  }
0x25: {  	[bflag:$0x0] =	sbarrier.arrive $0xFFFF  }
0x26: {  	_ =	swait.ge [sflag:s19], $0x3000  }
0x27: {  	[sflag:s19] =	ssyncset.done $0x0  }
0x28: {  	[sflag:s19] =	ssyncadd.s32 $0xFFFFD000  }
0x29: {  	[spmem:s3] =	stream.indirect.scatter.add.f32 [tilespmem:s17], [sflag:$0x5], $0x80, s20, s16, $0xb8;
	[tilespmem:$0x19E00] =	vst v63  }
0x2a: {  	_ =	swait.ge [sflag:s13], $0x3000  }
0x2b: {  	[sflag:s13] =	ssyncset.done $0x0  }
0x2c: {  	s28 =	sadd.s32 $0x0, s11;
	[sflag:s13] =	ssyncadd.s32 $0xFFFFD000  }
0x2d: {  	[tilespmem:s14], [sflag:$0x3] =	stream.linear.gather [hbm4b:s28+s4], $0x100, $0x38;
	[tilespmem:$0x19E00] =	vst v63  }
0x2e: {  	_ =	swait.ge [sflag:s21], $0x3000  }
0x2f: {  	[sflag:s21] =	ssyncset.done $0x0  }
0x30: {  	[sflag:s21] =	ssyncadd.s32 $0xFFFFD000  }
0x31: {  	[spmem:s3] =	stream.indirect.scatter.add.f32 [tilespmem:s18], [sflag:$0x5], $0x80, s22, s16, $0xb8;
	[tilespmem:$0x19E00] =	vst v63  }
0x32: {  	_ =	swait.ge [sflag:s13], $0x3000  }
0x33: {  	[sflag:s13] =	ssyncset.done $0x0  }
0x34: {  	s28 =	sadd.s32 $0x0, s10;
	[sflag:s13] =	ssyncadd.s32 $0xFFFFD000  }
0x35: {  	[tilespmem:s15], [sflag:$0x4] =	stream.linear.gather [hbm4b:s28+s4], $0x100, $0x38;
	[tilespmem:$0x19E00] =	vst v63  }
0x36: {  	_ =	swait.ge [sflag:s23], $0x100  }
0x37: {  	[sflag:s23] =	ssyncset.done $0x0  }
0x38: {  	[sflag:s23] =	ssyncadd.s32 $0xFFFFFF00  }
0x39: {  	[tilespmem:s17], [sflag:$0x1] =	stream.indirect.gather [hbm4b:s1+s16], $0x80, s14, s16, $0xb8;
	[tilespmem:$0x19E00] =	vst v63  }
0x3a: {  	_ =	swait.ge [sflag:s25], $0x100  }
0x3b: {  	[sflag:s25] =	ssyncset.done $0x0  }
0x3c: {  	s28 =	simm.s32 $0x40;
	[sflag:s25] =	ssyncadd.s32 $0xFFFFFF00  }
.LBB2_2:
0x3d: {  	[tilespmem:s18], [sflag:$0x2] =	stream.indirect.gather [hbm4b:s1+s16], $0x80, s15, s16, $0xb8;
	[tilespmem:$0x19E00] =	vst v63  }
0x3e: {  	s29 =	smov.u32 s28  }
0x3f: {  	p0 =	sne.s32 s28, $0xD00;
	s28 =	sadd.s32 $0x40, s28;
	_ =	swait.ge [sflag:s19], $0x3000  }
0x40: {  	[sflag:s19] =	ssyncset.done $0x0  }
0x41: {  	[sflag:s19] =	ssyncadd.s32 $0xFFFFD000  }
0x42: {  	[spmem:s3] =	stream.indirect.scatter.add.f32 [tilespmem:s17], [sflag:$0x5], $0x80, s20, s16, $0xb8;
	[tilespmem:$0x19E00] =	vst v63  }
0x43: {  	_ =	swait.ge [sflag:s13], $0x3000  }
0x44: {  	[sflag:s13] =	ssyncset.done $0x0  }
0x45: {  	s30 =	sadd.s32 s29, s11;
	[sflag:s13] =	ssyncadd.s32 $0xFFFFD000  }
0x46: {  	[tilespmem:s14], [sflag:$0x3] =	stream.linear.gather [hbm4b:s30+s4], $0x100, $0x38;
	[tilespmem:$0x19E00] =	vst v63  }
0x47: {  	_ =	swait.ge [sflag:s21], $0x3000  }
0x48: {  	[sflag:s21] =	ssyncset.done $0x0  }
0x49: {  	[sflag:s21] =	ssyncadd.s32 $0xFFFFD000  }
0x4a: {  	[spmem:s3] =	stream.indirect.scatter.add.f32 [tilespmem:s18], [sflag:$0x5], $0x80, s22, s16, $0xb8;
	[tilespmem:$0x19E00] =	vst v63  }
0x4b: {  	_ =	swait.ge [sflag:s13], $0x3000  }
0x4c: {  	[sflag:s13] =	ssyncset.done $0x0  }
0x4d: {  	s29 =	sadd.s32 s29, s10;
	[sflag:s13] =	ssyncadd.s32 $0xFFFFD000  }
0x4e: {  	[tilespmem:s15], [sflag:$0x4] =	stream.linear.gather [hbm4b:s29+s4], $0x100, $0x38;
	[tilespmem:$0x19E00] =	vst v63  }
0x4f: {  	_ =	swait.ge [sflag:s23], $0x100  }
0x50: {  	[sflag:s23] =	ssyncset.done $0x0  }
.Ltmp0:
0x51: {  	[sflag:s23] =	ssyncadd.s32 $0xFFFFFF00;
	(pc) =	sbr.rel @p0 .LBB2_2-.Ltmp0, $4  }
0x52: {  	[tilespmem:s17], [sflag:$0x1] =	stream.indirect.gather [hbm4b:s1+s16], $0x80, s14, s16, $0xb8;
	[tilespmem:$0x19E00] =	vst v63  }
0x53: {  	_ =	swait.ge [sflag:s25], $0x100  }
0x54: {  	[sflag:s25] =	ssyncset.done $0x0  }
0x55: {  	[sflag:s25] =	ssyncadd.s32 $0xFFFFFF00  }
0x56: {  	[tilespmem:s18], [sflag:$0x2] =	stream.indirect.gather [hbm4b:s1+s16], $0x80, s15, s16, $0xb8;
	[tilespmem:$0x19E00] =	vst v63  }
0x57: {  	_ =	swait.ge [sflag:s19], $0x3000  }
0x58: {  	[sflag:s19] =	ssyncset.done $0x0  }
0x59: {  	[sflag:s19] =	ssyncadd.s32 $0xFFFFD000  }
0x5a: {  	_ =	swait.ge [sflag:s21], $0x3000  }
0x5b: {  	s26 =	sadd.s32 $0x1, s26;
	[sflag:s21] =	ssyncset.done $0x0  }
0x5c: {  	p0 =	sne.s32 s26, s9;
	[sflag:s21] =	ssyncadd.s32 $0xFFFFD000  }
.Ltmp1:
0x5d: {  	[bflag:$0x0] =	sbarrier.arrive $0xFFFF;
	(pc) =	sbr.rel @p0 .LBB2_1-.Ltmp1, $4  }
0x5e: {  	[hbm:s24], [sflag:s6] =	dma.local [spmem:s12], $0x2780  }
0x5f: {  	_ =	swait.ge [sflag:s13], $0x2780  }
0x60: {  	[sflag:s13] =	ssyncset.done $0x0  }
0x61: {  	[sflag:s13] =	ssyncadd.s32 $0xFFFFD880  }
0x62: {  	_ =	sfence.sel $0x180000  }
0x63: {  	[bflag:$0x0] =	sbarrier.arrive $0xFFFF  }
0x64: {  	p0 =	sne.s32 s2, $0x0;
	_ =	strace $0x9000004A  }
0x65: {  	s0 =	sadd.s32 @!p0 $0x100000, s0;
	[bflag:$0x2] =	sbarrier.arrive $0xFFFF  }
0x66: {  	[sflag:s0] =	ssyncadd.tile.s32 @!p0 $0x1;
	_ =	shalt  }
.Lfunc_end2:
_tile_overlayer_lowered:
.L_overlay_start_2:
0x67: {  	(tag) =	ssettag $0x2  }
0x68: {  	s0 =	rddreg [dreg:$0x0];
	s2 =	stileid.u32  }
0x69: {  	s1 =	rddreg [dreg:$0x1];
	p0 =	sne.s32 s2, $0x0  }
0x6a: {  	s3 =	rddreg [dreg:$0x2];
	[bflag:$0x3] =	sbarrier.arrive $0xFFFF;
	s2 =	simm.s32 @!p0 $0x1C05  }
0x6b: {  	[timem:s3], [sflag:s2] =	dma.local @!p0 [hbm:s0], s1  }
0x6c: {  	s0 =	simm.s32 @!p0 $0x5  }
0x6d: {  	_ =	swait.ge @!p0 [sflag:s0], s1  }
0x6e: {  	s1 =	ssub.s32 @!p0 $0x0, s1;
	[sflag:s0] =	ssyncset.done @!p0 $0x0  }
0x6f: {  	[sflag:s0] =	ssyncadd.s32 @!p0 s1  }
0x70: {  	[bflag:$0x3] =	sbarrier.arrive $0xFFFF  }
0x71: {  	_ =	shalt  }

// kernel: kernel.13.cloned.1.call-start
scs
__scs_entry_jumppad:
0x0: {  	(pc) =	sbr.rel $0x88, $3  }
0x1: {  	(tag) =	ssettag $0x0;
	lr =	simm.s32 $0x1  }
0x2: {  	[smem:$0x3F97] =	sst lr;
	_ =	strace $0xD0000000  }
0x3: {  	_ = 	snop  }
0x4: {  	_ = 	snop  }
0x5: {  	_ = 	snop  }
0x6: {  	_ = 	snop  }
0x7: {  	_ = 	snop  }
__scs_overlays_trampoline_lowered:
0x8: {  	[smem:$0x3FA6] =	sst s0  }
0x9: {  	[smem:$0x3FA7] =	sst s1  }
0xa: {  	[smem:$0x3FA8] =	sst s2  }
0xb: {  	[smem:$0x3FA9] =	sst s3  }
0xc: {  	[smem:$0x3FAA] =	sst s4  }
0xd: {  	[smem:$0x3FAB] =	sst s5  }
0xe: {  	[smem:$0x3FAC] =	sst s6  }
0xf: {  	[smem:$0x3FAD] =	sst s7  }
0x10: {  	[smem:$0x3FAE] =	sst s8  }
0x11: {  	[smem:$0x3FAF] =	sst s9;
	s0 =	simm.s32 @!p0 $0x0  }
0x12: {  	s1 =	sld [smem:$0x3F95];
	s0 =	simm.s32 @p0 $0x1  }
0x13: {  	[smem:$0x3FB0] =	sst s0;
	s0 =	simm.s32 @!p1 $0x0  }
0x14: {  	s2 =	sld [smem:$0x3F94];
	s0 =	simm.s32 @p1 $0x1  }
0x15: {  	[smem:$0x3FB1] =	sst s0;
	s0 =	simm.s32 @!p2 $0x0  }
0x16: {  	s3 =	sld [smem:$0x3FDB];
	s0 =	simm.s32 @p2 $0x1  }
0x17: {  	s4 =	simm.s32 $0x1BF5;
	[smem:$0x3FB3] =	sst s0  }
0x18: {  	s0 =	sld [smem:$0x3F96];
	_ =	swait.ge [sflag:s4], $0x0  }
0x19: {  	s7 =	sld [smem:$0x3F97]  }
0x1a: {  	s8 =	sadd.s32 $0xFFFFE003, lr  }
0x1b: {  	s9 =	sadd.s32 $0xFFFFFEF7, lr;
	s5 =	simm.s32 $0xFFFFFFFF;
	p2 =	slt.u32 s8, $0xFFFFF086  }
0x1c: {  	p1 =	slt.u32 s9, $0xF7A;
	s5 =	simm.s32 @!p2 $0x0  }
0x1d: {  	s5 =	simm.s32 @p1 $0x1;
	p0 =	seq.s32 s7, s2  }
0x1e: {  	s7 =	smul.u32 @!p0 $0xF7A, s2;
	p2 =	seq.s32 @!p0 s5, $0x0  }
0x1f: {  	s9 =	smul.u32 $0xF7A, s1;
	s8 =	simm.s32 @!p0 $0x1BF5;
	p2 =	por !p2, p0  }
0x20: {  	[sflag:s8] =	ssyncset.s32 @!p0 $0xFFFFF086;
	s6 =	sadd.s32 @!p0 s3, s7;
	s7 =	simm.s32 @!p0 $0x108  }
0x21: {  	s3 =	sadd.s32 s3, s9;
	s6 =	sadd.s32 @!p0 $0x88, s6;
	s7 =	simm.s32 @p2 $0x1082  }
0x22: {  	[simem:s7], [sflag:s8] =	dma.local @!p0 [hbm:s6], $0xF7A  }
0x23: {  	s9 =	sor.u32 $0xD0000000, s2;
	s6 =	simm.s32 $0x108;
	_ =	swait.ge @!p0 [sflag:s8], $0x0  }
0x24: {  	s3 =	sadd.s32 $0x88, s3;
	s6 =	simm.s32 @!p1 $0x1082;
	[sflag:s4] =	ssyncset.s32 $0xFFFFF086  }
0x25: {  	[simem:s6], [sflag:s4] =	dma.local [hbm:s3], $0xF7A  }
0x26: {  	[smem:$0x3F97] =	sst s1;
	(tag) =	ssettag s2;
	_ =	strace s9  }
0x27: {  	s1 =	sld [smem:$0x3FA7]  }
0x28: {  	s2 =	sld [smem:$0x3FA8]  }
0x29: {  	s4 =	sld [smem:$0x3FAA]  }
0x2a: {  	p0 =	seq.s32 s5, $0x0;
	s5 =	sld [smem:$0x3FAB]  }
0x2b: {  	s6 =	sld [smem:$0x3FAC]  }
0x2c: {  	s7 =	sld [smem:$0x3FAD]  }
0x2d: {  	s3 =	simm.s32 $0x108;
	s8 =	sld [smem:$0x3FAE]  }
0x2e: {  	s3 =	simm.s32 @!p0 $0x1082;
	s9 =	sld [smem:$0x3FAF]  }
0x2f: {  	lr =	sadd.s32 s0, s3;
	s0 =	sld [smem:$0x3FA6]  }
0x30: {  	s3 =	sld [smem:$0x3FA9]  }
0x31: {  	[smem:$0x3FB2] =	sst s10  }
0x32: {  	s10 =	sld [smem:$0x3FB0];
	_ =	sdelay $0x3  }
0x33: {  	p0 =	seq.s32 s10, $0x1;
	s10 =	sld [smem:$0x3FB2];
	_ =	sdelay $0x3  }
0x34: {  	[smem:$0x3FB2] =	sst s10  }
0x35: {  	s10 =	sld [smem:$0x3FB1];
	_ =	sdelay $0x3  }
0x36: {  	p1 =	seq.s32 s10, $0x1;
	s10 =	sld [smem:$0x3FB2];
	_ =	sdelay $0x3  }
0x37: {  	[smem:$0x3FB2] =	sst s10  }
0x38: {  	s10 =	sld [smem:$0x3FB3]  }
0x39: {  	_ = 	snop;
	(pc) =	sbr.ind lr, $3  }
0x3a: {  	_ = 	snop  }
0x3b: {  	_ = 	snop  }
0x3c: {  	p2 =	seq.s32 s10, $0x1;
	s10 =	sld [smem:$0x3FB2]  }
0x3d: {  	_ =	shalt  }
0x3e: {  	_ =	shalt  }
0x3f: {  	_ =	shalt  }
0x40: {  	_ =	shalt  }
0x41: {  	_ =	shalt  }
0x42: {  	_ =	shalt  }
0x43: {  	_ =	shalt  }
0x44: {  	_ =	shalt  }
0x45: {  	_ =	shalt  }
0x46: {  	_ =	shalt  }
0x47: {  	_ =	shalt  }
0x48: {  	_ =	shalt  }
0x49: {  	_ =	shalt  }
0x4a: {  	_ =	shalt  }
0x4b: {  	_ =	shalt  }
0x4c: {  	_ =	shalt  }
0x4d: {  	_ =	shalt  }
0x4e: {  	_ =	shalt  }
0x4f: {  	_ =	shalt  }
0x50: {  	_ =	shalt  }
0x51: {  	_ =	shalt  }
0x52: {  	_ =	shalt  }
0x53: {  	_ =	shalt  }
0x54: {  	_ =	shalt  }
0x55: {  	_ =	shalt  }
0x56: {  	_ =	shalt  }
0x57: {  	_ =	shalt  }
0x58: {  	_ =	shalt  }
0x59: {  	_ =	shalt  }
0x5a: {  	_ =	shalt  }
0x5b: {  	_ =	shalt  }
0x5c: {  	_ =	shalt  }
0x5d: {  	_ =	shalt  }
0x5e: {  	_ =	shalt  }
0x5f: {  	_ =	shalt  }
0x60: {  	_ =	shalt  }
0x61: {  	_ =	shalt  }
0x62: {  	_ =	shalt  }
0x63: {  	_ =	shalt  }
0x64: {  	_ =	shalt  }
0x65: {  	_ =	shalt  }
0x66: {  	_ =	shalt  }
0x67: {  	_ =	shalt  }
0x68: {  	_ =	shalt  }
0x69: {  	_ =	shalt  }
0x6a: {  	_ =	shalt  }
0x6b: {  	_ =	shalt  }
0x6c: {  	_ =	shalt  }
0x6d: {  	_ =	shalt  }
0x6e: {  	_ =	shalt  }
0x6f: {  	_ =	shalt  }
0x70: {  	_ =	shalt  }
0x71: {  	_ =	shalt  }
0x72: {  	_ =	shalt  }
0x73: {  	_ =	shalt  }
0x74: {  	_ =	shalt  }
0x75: {  	_ =	shalt  }
0x76: {  	_ =	shalt  }
0x77: {  	_ =	shalt  }
0x78: {  	_ =	shalt  }
0x79: {  	_ =	shalt  }
0x7a: {  	_ =	shalt  }
0x7b: {  	_ =	shalt  }
0x7c: {  	_ =	shalt  }
0x7d: {  	_ =	shalt  }
0x7e: {  	_ =	shalt  }
0x7f: {  	_ =	shalt  }
0x80: {  	_ =	shalt  }
0x81: {  	_ =	shalt  }
0x82: {  	_ =	shalt  }
0x83: {  	_ =	shalt  }
0x84: {  	_ =	shalt  }
0x85: {  	_ =	shalt  }
0x86: {  	_ =	shalt  }
0x87: {  	_ =	shalt  }
.Lfunc_end0:
.L_simem_size_0:
called_computation.2_lowered:
.L_overlay_start_0:
0x88: {  	s2 =	sld [smem:$0x3FD9]  }
0x89: {  	s3 =	sld [smem:$0x3FFE];
	_ =	sdelay $0x1  }
0x8a: {  	s1 =	srdreg.scid  }
0x8b: {  	s0 =	sand.u32 $0x1, s1  }
0x8c: {  	s16 =	sshll.u32 s0, $0xA;
	s2 =	sadd.s32 s3, s2  }
0x8d: {  	s2 =	sadd.s32 s2, s16  }
0x8e: {  	[smem:$0x3FBE] =	sst s2  }
0x8f: {  	_ = 	snop  }
0x90: {  	(tm) =	ssettm $0x1  }
0x91: {  	s17 =	sld [smem:$0x3FFB];
	_ =	sdelay $0x3  }
0x92: {  	_ =	strace s17  }
0x93: {  	s2 =	sld [smem:$0x3FFC];
	_ =	sdelay $0x3  }
0x94: {  	_ =	strace s2  }
0x95: {  	s2 =	sld [smem:$0x3FFD];
	_ =	sdelay $0x3  }
0x96: {  	_ =	strace s2  }
0x97: {  	_ =	strace $0x8FFFFFFF  }
0x98: {  	s18 =	sld [smem:$0x3FDB];
	_ =	sdelay $0x1  }
0x99: {  	s19 =	simm.s32 $_scs_section_size  }
0x9a: {  	s4 =	simm.s32 $_size__tile_overlayer_lowered;
	s5 =	simm.s32 $_tile_overlayer_lowered  }
0x9b: {  	s22 =	simm.s32 $0x1BFF;
	s21 =	sshll.u32 s5, $0x1;
	s2 =	sadd.s32 s19, s18  }
0x9c: {  	s6 =	simm.s32 $0x0;
	s20 =	sshll.u32 s4, $0x1;
	s4 =	sadd.s32 s21, s2  }
0x9d: {  	[timem:s6], [sflag:s22] =	dma.local [hbm:s4], s20  }
0x9e: {  	_ =	swait.ge [sflag:s22], s20  }
0x9f: {  	s3 =	ssub.s32 $0x0, s20;
	[sflag:s22] =	ssyncset.done $0x0  }
0xa0: {  	[sflag:s22] =	ssyncadd.s32 s3;
	_ =	sdelay $0x1  }
0xa1: {  	s23 =	simm.s32 $0x1B8B  }
0xa2: {  	_ =	swait.ge [sflag:s23], $0x1  }
0xa3: {  	[sflag:s23] =	ssyncset.done $0x0  }
0xa4: {  	s25 =	simm.s32 $0x1B8E;
	s24 =	sld [smem:$0x3FFE];
	[sflag:s23] =	ssyncadd.s32 $0xFFFFFFFF  }
0xa5: {  	s26 =	simm.s32 $execute0_lowered;
	[smem:$0x3FD2] =	sst s25  }
0xa6: {  	s4 =	sshll.u32 s26, $0x1;
	_ =	strace $0x8000004C;
	[dreg:$0x1] =	wrdreg $0xFFFFFFFF  }
0xa7: {  	s28 =	simm.s32 $_size_execute0_lowered;
	s2 =	sadd.s32 s2, s4;
	[dreg:$0x0] =	wrdreg $0x0  }
0xa8: {  	s4 =	sshll.u32 s28, $0x1;
	[dreg:$0x2] =	wrdreg s2  }
0xa9: {  	[dreg:$0x3] =	wrdreg s4  }
0xaa: {  	[dreg:$0x4] =	wrdreg $0xC0  }
0xab: {  	_ =	task [dreg:s6], $0x5FFFF  }
0xac: {  	[dreg:$0x1] =	wrdreg $0xFFFFFFFF  }
0xad: {  	[dreg:$0x0] =	wrdreg $0x60  }
0xae: {  	[dreg:$0x2] =	wrdreg s24  }
0xaf: {  	[dreg:$0x3] =	wrdreg $0x0  }
0xb0: {  	[dreg:$0x4] =	wrdreg $0x9  }
0xb1: {  	_ =	task.clear_ibuf [dreg:s6], $0x5FFFF;
	_ =	strace $0x9000004C  }
0xb2: {  	s29 =	simm.s32 $0x9;
	_ =	strace $0x8000004E  }
0xb3: {  	_ =	swait.ge [sflag:s29], $0x1  }
0xb4: {  	[sflag:s29] =	ssyncadd.s32 $0xFFFFFFFF  }
0xb5: {  	_ =	strace $0x9000004E  }
0xb6: {  	_ =	sfence  }
0xb7: {  	s30 =	sld [smem:$0x0];
	_ =	sdelay $0x2  }
0xb8: {  	s31 =	sshll.u32 s1, $0xD;
	s1 =	sshrl.u32 s1, $0x2  }
0xb9: {  	s3 =	sand.u32 $0x4000, s31;
	s1 =	sadd.s32 s1, s30  }
0xba: {  	s0 =	sor.u32 s3, s0;
	s1 =	sshll.u32 s1, $0x11  }
0xbb: {  	s0 =	sor.u32 s1, s0  }
0xbc: {  	s0 =	sadd.s32 $0x8F2B, s0  }
0xbd: {  	[sflag:s0] =	ssyncadd.remote.s32 $0x1  }
0xbe: {  	_ =	sfence.sel $0xFFFF  }
0xbf: {  	[dreg:$0x0] =	wrdreg $0xFFFFFFFF;
	(pc) =	sbr.abs _section_cstart, $3  }
0xc0: {  	[dreg:$0x1] =	wrdreg $0xFFFFFFFF  }
0xc1: {  	_ =	task.clear_ibuf [dreg:s6], $0x2FFFF;
	_ =	strace $0x9FFFFFFF  }
0xc2: {  	(tm) =	ssettm $0x7FFFFFFF  }
0xc3: {  	_ =	shalt  }
tec
execute0_lowered:
.L_overlay_start_1:
0x0: {  	(tag) =	ssettag $0x1  }
0x1: {  	s5 =	rddreg [dreg:$0x0]  }
0x2: {  	s1 =	rddreg [dreg:$0x1]  }
0x3: {  	s0 =	rddreg [dreg:$0x2];
	s3 =	simm.s32 $0x0;
	s2 =	stileid.u32  }
0x4: {  	s6 =	srdreg.scid;
	s16 =	simm.s32 $0x60;
	s17 =	simm.s32 $0x13E00  }
0x5: {  	s18 =	simm.s32 $0x16E00;
	s19 =	simm.s32 $0x1;
	s20 =	simm.s32 $0x13C80  }
0x6: {  	s21 =	simm.s32 $0x2;
	[smem:$0x7FF] =	sst s3;
	s24 =	smul.u32 $0x2780, s2  }
0x7: {  	s4 =	sadd.s32 $0xA9A00, s5;
	s6 =	sand.u32 $0x1, s6;
	s10 =	smul.u32 $0x4F000, s2  }
0x8: {  	s11 =	sadd.s32 $0x8EA00, s5;
	s26 =	smul.u32 $0x6C00, s2;
	s28 =	sshll.u32 s2, $0x6  }
0x9: {  	_ =	strace $0x8000004D;
	s7 =	smul.u32 $0x27800, s6;
	s8 =	sshll.u32 s6, $0x4  }
0xa: {  	s22 =	ssub.s32 $0x2, s6;
	s13 =	smul.u32 $0x6C000, s6;
	s6 =	sor.u32 $0x1C05, s28  }
0xb: {  	s9 =	sadd.s32 s24, s5;
	s8 =	sor.u32 s2, s8;
	s25 =	sshrl.u32 s22, $0x1  }
0xc: {  	s10 =	sshrl.u32 s10, $0x2;
	s12 =	sadd.s32 s7, s5;
	s23 =	smul.u32 $0x6C00, s8  }
0xd: {  	s14 =	ssub.s32 s22, s25;
	s15 =	sadd.s32 s10, s1;
	s5 =	sadd.s32 $0x18200, s9  }
0xe: {  	s29 =	sadd.s32 s26, s13;
	s13 =	simm.s32 $0x5;
	s22 =	simm.s32 $0x13D80  }
0xf: {  	s26 =	simm.s32 $0x0;
	s30 =	sor.u32 $0x300, s29;
	s9 =	sor.u32 $0x200, s29  }
0x10: {  	s25 =	sadd.s32 $0xD0C00, s12;
	s12 =	sshrl.u32 s15, $0x3;
	s15 =	simm.s32 $0x13D00  }
0x11: {  	s7 =	sshrl.u32 s23, $0x3;
	s10 =	sshrl.u32 s30, $0x3;
	s31 =	sshrl.u32 s9, $0x3  }
0x12: {  	s9 =	smax.u32 s14, $0x1;
	s14 =	simm.s32 $0x13C00;
	s23 =	simm.s32 $0x3  }
0x13: {  	s24 =	sadd.s32 s24, s25;
	s25 =	simm.s32 $0x4;
	s7 =	sadd.s32 s11, s7  }
0x14: {  	s10 =	sadd.s32 s10, s11;
	s11 =	sadd.s32 s31, s11;
	s8 =	sadd.s32 $0x20, s7  }
.LBB2_1:
0x15: {  	[spmem:s12], [sflag:s6] =	dma.local [hbm:s5], $0x2780  }
0x16: {  	_ =	swait.ge [sflag:s13], $0x2780  }
0x17: {  	[sflag:s13] =	ssyncset.done $0x0  }
0x18: {  	[sflag:s13] =	ssyncadd.s32 $0xFFFFD880  }
0x19: {  	[tilespmem:s14], [sflag:$0x5] =	stream.linear.gather [hbm4b:s7+s3], $0x100, $0x38;
	[tilespmem:$0x19E00] =	vst v63  }
0x1a: {  	_ =	swait.ge [sflag:s13], $0x100  }
0x1b: {  	[sflag:s13] =	ssyncset.done $0x0  }
0x1c: {  	[sflag:s13] =	ssyncadd.s32 $0xFFFFFF00  }
0x1d: {  	[tilespmem:s15], [sflag:$0x5] =	stream.linear.gather [hbm4b:s8+s3], $0x100, $0x38;
	[tilespmem:$0x19E00] =	vst v63  }
0x1e: {  	_ =	swait.ge [sflag:s13], $0x100  }
0x1f: {  	[sflag:s13] =	ssyncset.done $0x0  }
0x20: {  	[sflag:s13] =	ssyncadd.s32 $0xFFFFFF00  }
0x21: {  	[tilespmem:s17], [sflag:$0x1] =	stream.indirect.gather [hbm4b:s4+s16], $0x80, s14, s16, $0xb8;
	[tilespmem:$0x19E00] =	vst v63  }
0x22: {  	_ = 	snop  }
0x23: {  	[tilespmem:s18], [sflag:$0x2] =	stream.indirect.gather [hbm4b:s4+s16], $0x80, s15, s16, $0xb8;
	[tilespmem:$0x19E00] =	vst v63  }
0x24: {  	[bflag:$0x0] =	sbarrier.arrive $0xFFFF  }
0x25: {  	_ =	swait.ge [sflag:s19], $0x3000  }
0x26: {  	[sflag:s19] =	ssyncset.done $0x0  }
0x27: {  	[sflag:s19] =	ssyncadd.s32 $0xFFFFD000  }
0x28: {  	[spmem:s1] =	stream.indirect.scatter.add.f32 [tilespmem:s17], [sflag:$0x5], $0x80, s20, s16, $0xb8;
	[tilespmem:$0x19E00] =	vst v63  }
0x29: {  	_ =	swait.ge [sflag:s13], $0x3000  }
0x2a: {  	[sflag:s13] =	ssyncset.done $0x0  }
0x2b: {  	s28 =	sadd.s32 $0x0, s11;
	[sflag:s13] =	ssyncadd.s32 $0xFFFFD000  }
0x2c: {  	[tilespmem:s14], [sflag:$0x3] =	stream.linear.gather [hbm4b:s28+s3], $0x100, $0x38;
	[tilespmem:$0x19E00] =	vst v63  }
0x2d: {  	_ =	swait.ge [sflag:s21], $0x3000  }
0x2e: {  	[sflag:s21] =	ssyncset.done $0x0  }
0x2f: {  	[sflag:s21] =	ssyncadd.s32 $0xFFFFD000  }
0x30: {  	[spmem:s1] =	stream.indirect.scatter.add.f32 [tilespmem:s18], [sflag:$0x5], $0x80, s22, s16, $0xb8;
	[tilespmem:$0x19E00] =	vst v63  }
0x31: {  	_ =	swait.ge [sflag:s13], $0x3000  }
0x32: {  	[sflag:s13] =	ssyncset.done $0x0  }
0x33: {  	s28 =	sadd.s32 $0x0, s10;
	[sflag:s13] =	ssyncadd.s32 $0xFFFFD000  }
0x34: {  	[tilespmem:s15], [sflag:$0x4] =	stream.linear.gather [hbm4b:s28+s3], $0x100, $0x38;
	[tilespmem:$0x19E00] =	vst v63  }
0x35: {  	_ =	swait.ge [sflag:s23], $0x100  }
0x36: {  	[sflag:s23] =	ssyncset.done $0x0  }
0x37: {  	[sflag:s23] =	ssyncadd.s32 $0xFFFFFF00  }
0x38: {  	[tilespmem:s17], [sflag:$0x1] =	stream.indirect.gather [hbm4b:s4+s16], $0x80, s14, s16, $0xb8;
	[tilespmem:$0x19E00] =	vst v63  }
0x39: {  	_ =	swait.ge [sflag:s25], $0x100  }
0x3a: {  	[sflag:s25] =	ssyncset.done $0x0  }
0x3b: {  	s28 =	simm.s32 $0x40;
	[sflag:s25] =	ssyncadd.s32 $0xFFFFFF00  }
.LBB2_2:
0x3c: {  	[tilespmem:s18], [sflag:$0x2] =	stream.indirect.gather [hbm4b:s4+s16], $0x80, s15, s16, $0xb8;
	[tilespmem:$0x19E00] =	vst v63  }
0x3d: {  	s29 =	smov.u32 s28  }
0x3e: {  	p0 =	sne.s32 s28, $0xD00;
	s28 =	sadd.s32 $0x40, s28;
	_ =	swait.ge [sflag:s19], $0x3000  }
0x3f: {  	[sflag:s19] =	ssyncset.done $0x0  }
0x40: {  	[sflag:s19] =	ssyncadd.s32 $0xFFFFD000  }
0x41: {  	[spmem:s1] =	stream.indirect.scatter.add.f32 [tilespmem:s17], [sflag:$0x5], $0x80, s20, s16, $0xb8;
	[tilespmem:$0x19E00] =	vst v63  }
0x42: {  	_ =	swait.ge [sflag:s13], $0x3000  }
0x43: {  	[sflag:s13] =	ssyncset.done $0x0  }
0x44: {  	s30 =	sadd.s32 s29, s11;
	[sflag:s13] =	ssyncadd.s32 $0xFFFFD000  }
0x45: {  	[tilespmem:s14], [sflag:$0x3] =	stream.linear.gather [hbm4b:s30+s3], $0x100, $0x38;
	[tilespmem:$0x19E00] =	vst v63  }
0x46: {  	_ =	swait.ge [sflag:s21], $0x3000  }
0x47: {  	[sflag:s21] =	ssyncset.done $0x0  }
0x48: {  	[sflag:s21] =	ssyncadd.s32 $0xFFFFD000  }
0x49: {  	[spmem:s1] =	stream.indirect.scatter.add.f32 [tilespmem:s18], [sflag:$0x5], $0x80, s22, s16, $0xb8;
	[tilespmem:$0x19E00] =	vst v63  }
0x4a: {  	_ =	swait.ge [sflag:s13], $0x3000  }
0x4b: {  	[sflag:s13] =	ssyncset.done $0x0  }
0x4c: {  	s29 =	sadd.s32 s29, s10;
	[sflag:s13] =	ssyncadd.s32 $0xFFFFD000  }
0x4d: {  	[tilespmem:s15], [sflag:$0x4] =	stream.linear.gather [hbm4b:s29+s3], $0x100, $0x38;
	[tilespmem:$0x19E00] =	vst v63  }
0x4e: {  	_ =	swait.ge [sflag:s23], $0x100  }
0x4f: {  	[sflag:s23] =	ssyncset.done $0x0  }
.Ltmp0:
0x50: {  	[sflag:s23] =	ssyncadd.s32 $0xFFFFFF00;
	(pc) =	sbr.rel @p0 .LBB2_2-.Ltmp0, $4  }
0x51: {  	[tilespmem:s17], [sflag:$0x1] =	stream.indirect.gather [hbm4b:s4+s16], $0x80, s14, s16, $0xb8;
	[tilespmem:$0x19E00] =	vst v63  }
0x52: {  	_ =	swait.ge [sflag:s25], $0x100  }
0x53: {  	[sflag:s25] =	ssyncset.done $0x0  }
0x54: {  	[sflag:s25] =	ssyncadd.s32 $0xFFFFFF00  }
0x55: {  	[tilespmem:s18], [sflag:$0x2] =	stream.indirect.gather [hbm4b:s4+s16], $0x80, s15, s16, $0xb8;
	[tilespmem:$0x19E00] =	vst v63  }
0x56: {  	_ =	swait.ge [sflag:s19], $0x3000  }
0x57: {  	[sflag:s19] =	ssyncset.done $0x0  }
0x58: {  	[sflag:s19] =	ssyncadd.s32 $0xFFFFD000  }
0x59: {  	_ =	swait.ge [sflag:s21], $0x3000  }
0x5a: {  	s26 =	sadd.s32 $0x1, s26;
	[sflag:s21] =	ssyncset.done $0x0  }
0x5b: {  	p0 =	sne.s32 s26, s9;
	[sflag:s21] =	ssyncadd.s32 $0xFFFFD000  }
.Ltmp1:
0x5c: {  	[bflag:$0x0] =	sbarrier.arrive $0xFFFF;
	(pc) =	sbr.rel @p0 .LBB2_1-.Ltmp1, $4  }
0x5d: {  	[hbm:s24], [sflag:s6] =	dma.local [spmem:s12], $0x2780  }
0x5e: {  	_ =	swait.ge [sflag:s13], $0x2780  }
0x5f: {  	[sflag:s13] =	ssyncset.done $0x0  }
0x60: {  	[sflag:s13] =	ssyncadd.s32 $0xFFFFD880  }
0x61: {  	_ =	sfence.sel $0x180000  }
0x62: {  	[bflag:$0x0] =	sbarrier.arrive $0xFFFF  }
0x63: {  	p0 =	sne.s32 s2, $0x0;
	_ =	strace $0x9000004D  }
0x64: {  	s0 =	sadd.s32 @!p0 $0x100000, s0;
	[bflag:$0x2] =	sbarrier.arrive $0xFFFF  }
0x65: {  	[sflag:s0] =	ssyncadd.tile.s32 @!p0 $0x1;
	_ =	shalt  }
.Lfunc_end2:
_tile_overlayer_lowered:
.L_overlay_start_2:
0x66: {  	(tag) =	ssettag $0x2  }
0x67: {  	s0 =	rddreg [dreg:$0x0];
	s2 =	stileid.u32  }
0x68: {  	s1 =	rddreg [dreg:$0x1];
	p0 =	sne.s32 s2, $0x0  }
0x69: {  	s3 =	rddreg [dreg:$0x2];
	[bflag:$0x3] =	sbarrier.arrive $0xFFFF;
	s2 =	simm.s32 @!p0 $0x1C05  }
0x6a: {  	[timem:s3], [sflag:s2] =	dma.local @!p0 [hbm:s0], s1  }
0x6b: {  	s0 =	simm.s32 @!p0 $0x5  }
0x6c: {  	_ =	swait.ge @!p0 [sflag:s0], s1  }
0x6d: {  	s1 =	ssub.s32 @!p0 $0x0, s1;
	[sflag:s0] =	ssyncset.done @!p0 $0x0  }
0x6e: {  	[sflag:s0] =	ssyncadd.s32 @!p0 s1  }
0x6f: {  	[bflag:$0x3] =	sbarrier.arrive $0xFFFF  }
0x70: {  	_ =	shalt  }

// kernel: kernel.7.cloned.1.call-start
scs
__scs_entry_jumppad:
0x0: {  	(pc) =	sbr.rel $0x88, $3  }
0x1: {  	(tag) =	ssettag $0x0;
	lr =	simm.s32 $0x1  }
0x2: {  	[smem:$0x3F97] =	sst lr;
	_ =	strace $0xD0000000  }
0x3: {  	_ = 	snop  }
0x4: {  	_ = 	snop  }
0x5: {  	_ = 	snop  }
0x6: {  	_ = 	snop  }
0x7: {  	_ = 	snop  }
__scs_overlays_trampoline_lowered:
0x8: {  	[smem:$0x3FA6] =	sst s0  }
0x9: {  	[smem:$0x3FA7] =	sst s1  }
0xa: {  	[smem:$0x3FA8] =	sst s2  }
0xb: {  	[smem:$0x3FA9] =	sst s3  }
0xc: {  	[smem:$0x3FAA] =	sst s4  }
0xd: {  	[smem:$0x3FAB] =	sst s5  }
0xe: {  	[smem:$0x3FAC] =	sst s6  }
0xf: {  	[smem:$0x3FAD] =	sst s7  }
0x10: {  	[smem:$0x3FAE] =	sst s8  }
0x11: {  	[smem:$0x3FAF] =	sst s9;
	s0 =	simm.s32 @!p0 $0x0  }
0x12: {  	s1 =	sld [smem:$0x3F95];
	s0 =	simm.s32 @p0 $0x1  }
0x13: {  	[smem:$0x3FB0] =	sst s0;
	s0 =	simm.s32 @!p1 $0x0  }
0x14: {  	s2 =	sld [smem:$0x3F94];
	s0 =	simm.s32 @p1 $0x1  }
0x15: {  	[smem:$0x3FB1] =	sst s0;
	s0 =	simm.s32 @!p2 $0x0  }
0x16: {  	s3 =	sld [smem:$0x3FDB];
	s0 =	simm.s32 @p2 $0x1  }
0x17: {  	s4 =	simm.s32 $0x1BF5;
	[smem:$0x3FB3] =	sst s0  }
0x18: {  	s0 =	sld [smem:$0x3F96];
	_ =	swait.ge [sflag:s4], $0x0  }
0x19: {  	s7 =	sld [smem:$0x3F97]  }
0x1a: {  	s8 =	sadd.s32 $0xFFFFE003, lr  }
0x1b: {  	s9 =	sadd.s32 $0xFFFFFEF7, lr;
	s5 =	simm.s32 $0xFFFFFFFF;
	p2 =	slt.u32 s8, $0xFFFFF086  }
0x1c: {  	p1 =	slt.u32 s9, $0xF7A;
	s5 =	simm.s32 @!p2 $0x0  }
0x1d: {  	s5 =	simm.s32 @p1 $0x1;
	p0 =	seq.s32 s7, s2  }
0x1e: {  	s7 =	smul.u32 @!p0 $0xF7A, s2;
	p2 =	seq.s32 @!p0 s5, $0x0  }
0x1f: {  	s9 =	smul.u32 $0xF7A, s1;
	s8 =	simm.s32 @!p0 $0x1BF5;
	p2 =	por !p2, p0  }
0x20: {  	[sflag:s8] =	ssyncset.s32 @!p0 $0xFFFFF086;
	s6 =	sadd.s32 @!p0 s3, s7;
	s7 =	simm.s32 @!p0 $0x108  }
0x21: {  	s3 =	sadd.s32 s3, s9;
	s6 =	sadd.s32 @!p0 $0x88, s6;
	s7 =	simm.s32 @p2 $0x1082  }
0x22: {  	[simem:s7], [sflag:s8] =	dma.local @!p0 [hbm:s6], $0xF7A  }
0x23: {  	s9 =	sor.u32 $0xD0000000, s2;
	s6 =	simm.s32 $0x108;
	_ =	swait.ge @!p0 [sflag:s8], $0x0  }
0x24: {  	s3 =	sadd.s32 $0x88, s3;
	s6 =	simm.s32 @!p1 $0x1082;
	[sflag:s4] =	ssyncset.s32 $0xFFFFF086  }
0x25: {  	[simem:s6], [sflag:s4] =	dma.local [hbm:s3], $0xF7A  }
0x26: {  	[smem:$0x3F97] =	sst s1;
	(tag) =	ssettag s2;
	_ =	strace s9  }
0x27: {  	s1 =	sld [smem:$0x3FA7]  }
0x28: {  	s2 =	sld [smem:$0x3FA8]  }
0x29: {  	s4 =	sld [smem:$0x3FAA]  }
0x2a: {  	p0 =	seq.s32 s5, $0x0;
	s5 =	sld [smem:$0x3FAB]  }
0x2b: {  	s6 =	sld [smem:$0x3FAC]  }
0x2c: {  	s7 =	sld [smem:$0x3FAD]  }
0x2d: {  	s3 =	simm.s32 $0x108;
	s8 =	sld [smem:$0x3FAE]  }
0x2e: {  	s3 =	simm.s32 @!p0 $0x1082;
	s9 =	sld [smem:$0x3FAF]  }
0x2f: {  	lr =	sadd.s32 s0, s3;
	s0 =	sld [smem:$0x3FA6]  }
0x30: {  	s3 =	sld [smem:$0x3FA9]  }
0x31: {  	[smem:$0x3FB2] =	sst s10  }
0x32: {  	s10 =	sld [smem:$0x3FB0];
	_ =	sdelay $0x3  }
0x33: {  	p0 =	seq.s32 s10, $0x1;
	s10 =	sld [smem:$0x3FB2];
	_ =	sdelay $0x3  }
0x34: {  	[smem:$0x3FB2] =	sst s10  }
0x35: {  	s10 =	sld [smem:$0x3FB1];
	_ =	sdelay $0x3  }
0x36: {  	p1 =	seq.s32 s10, $0x1;
	s10 =	sld [smem:$0x3FB2];
	_ =	sdelay $0x3  }
0x37: {  	[smem:$0x3FB2] =	sst s10  }
0x38: {  	s10 =	sld [smem:$0x3FB3]  }
0x39: {  	_ = 	snop;
	(pc) =	sbr.ind lr, $3  }
0x3a: {  	_ = 	snop  }
0x3b: {  	_ = 	snop  }
0x3c: {  	p2 =	seq.s32 s10, $0x1;
	s10 =	sld [smem:$0x3FB2]  }
0x3d: {  	_ =	shalt  }
0x3e: {  	_ =	shalt  }
0x3f: {  	_ =	shalt  }
0x40: {  	_ =	shalt  }
0x41: {  	_ =	shalt  }
0x42: {  	_ =	shalt  }
0x43: {  	_ =	shalt  }
0x44: {  	_ =	shalt  }
0x45: {  	_ =	shalt  }
0x46: {  	_ =	shalt  }
0x47: {  	_ =	shalt  }
0x48: {  	_ =	shalt  }
0x49: {  	_ =	shalt  }
0x4a: {  	_ =	shalt  }
0x4b: {  	_ =	shalt  }
0x4c: {  	_ =	shalt  }
0x4d: {  	_ =	shalt  }
0x4e: {  	_ =	shalt  }
0x4f: {  	_ =	shalt  }
0x50: {  	_ =	shalt  }
0x51: {  	_ =	shalt  }
0x52: {  	_ =	shalt  }
0x53: {  	_ =	shalt  }
0x54: {  	_ =	shalt  }
0x55: {  	_ =	shalt  }
0x56: {  	_ =	shalt  }
0x57: {  	_ =	shalt  }
0x58: {  	_ =	shalt  }
0x59: {  	_ =	shalt  }
0x5a: {  	_ =	shalt  }
0x5b: {  	_ =	shalt  }
0x5c: {  	_ =	shalt  }
0x5d: {  	_ =	shalt  }
0x5e: {  	_ =	shalt  }
0x5f: {  	_ =	shalt  }
0x60: {  	_ =	shalt  }
0x61: {  	_ =	shalt  }
0x62: {  	_ =	shalt  }
0x63: {  	_ =	shalt  }
0x64: {  	_ =	shalt  }
0x65: {  	_ =	shalt  }
0x66: {  	_ =	shalt  }
0x67: {  	_ =	shalt  }
0x68: {  	_ =	shalt  }
0x69: {  	_ =	shalt  }
0x6a: {  	_ =	shalt  }
0x6b: {  	_ =	shalt  }
0x6c: {  	_ =	shalt  }
0x6d: {  	_ =	shalt  }
0x6e: {  	_ =	shalt  }
0x6f: {  	_ =	shalt  }
0x70: {  	_ =	shalt  }
0x71: {  	_ =	shalt  }
0x72: {  	_ =	shalt  }
0x73: {  	_ =	shalt  }
0x74: {  	_ =	shalt  }
0x75: {  	_ =	shalt  }
0x76: {  	_ =	shalt  }
0x77: {  	_ =	shalt  }
0x78: {  	_ =	shalt  }
0x79: {  	_ =	shalt  }
0x7a: {  	_ =	shalt  }
0x7b: {  	_ =	shalt  }
0x7c: {  	_ =	shalt  }
0x7d: {  	_ =	shalt  }
0x7e: {  	_ =	shalt  }
0x7f: {  	_ =	shalt  }
0x80: {  	_ =	shalt  }
0x81: {  	_ =	shalt  }
0x82: {  	_ =	shalt  }
0x83: {  	_ =	shalt  }
0x84: {  	_ =	shalt  }
0x85: {  	_ =	shalt  }
0x86: {  	_ =	shalt  }
0x87: {  	_ =	shalt  }
.Lfunc_end0:
.L_simem_size_0:
called_computation_lowered:
.L_overlay_start_0:
0x88: {  	s2 =	sld [smem:$0x3FD9]  }
0x89: {  	s3 =	sld [smem:$0x3FFE];
	_ =	sdelay $0x1  }
0x8a: {  	s1 =	srdreg.scid  }
0x8b: {  	s0 =	sand.u32 $0x1, s1  }
0x8c: {  	s16 =	sshll.u32 s0, $0xA;
	s2 =	sadd.s32 s3, s2  }
0x8d: {  	s2 =	sadd.s32 s2, s16  }
0x8e: {  	[smem:$0x3FBE] =	sst s2  }
0x8f: {  	_ = 	snop  }
0x90: {  	(tm) =	ssettm $0x1  }
0x91: {  	s17 =	sld [smem:$0x3FFB];
	_ =	sdelay $0x3  }
0x92: {  	_ =	strace s17  }
0x93: {  	s2 =	sld [smem:$0x3FFC];
	_ =	sdelay $0x3  }
0x94: {  	_ =	strace s2  }
0x95: {  	s2 =	sld [smem:$0x3FFD];
	_ =	sdelay $0x3  }
0x96: {  	_ =	strace s2  }
0x97: {  	_ =	strace $0x8FFFFFFF  }
0x98: {  	s18 =	sld [smem:$0x3FDB];
	_ =	sdelay $0x1  }
0x99: {  	s19 =	simm.s32 $_scs_section_size  }
0x9a: {  	s4 =	simm.s32 $_size__tile_overlayer_lowered;
	s5 =	simm.s32 $_tile_overlayer_lowered  }
0x9b: {  	s22 =	simm.s32 $0x1BFF;
	s21 =	sshll.u32 s5, $0x1;
	s2 =	sadd.s32 s19, s18  }
0x9c: {  	s6 =	simm.s32 $0x0;
	s20 =	sshll.u32 s4, $0x1;
	s4 =	sadd.s32 s21, s2  }
0x9d: {  	[timem:s6], [sflag:s22] =	dma.local [hbm:s4], s20  }
0x9e: {  	_ =	swait.ge [sflag:s22], s20  }
0x9f: {  	s3 =	ssub.s32 $0x0, s20;
	[sflag:s22] =	ssyncset.done $0x0  }
0xa0: {  	[sflag:s22] =	ssyncadd.s32 s3;
	_ =	sdelay $0x1  }
0xa1: {  	s23 =	simm.s32 $0x1B8B  }
0xa2: {  	_ =	swait.ge [sflag:s23], $0x1  }
0xa3: {  	[sflag:s23] =	ssyncset.done $0x0  }
0xa4: {  	s25 =	simm.s32 $0x1B8E;
	s24 =	sld [smem:$0x3FFE];
	[sflag:s23] =	ssyncadd.s32 $0xFFFFFFFF  }
0xa5: {  	s26 =	simm.s32 $execute0_lowered;
	[smem:$0x3FD2] =	sst s25  }
0xa6: {  	s4 =	sshll.u32 s26, $0x1;
	_ =	strace $0x80000046;
	[dreg:$0x1] =	wrdreg $0xFFFFFFFF  }
0xa7: {  	s28 =	simm.s32 $_size_execute0_lowered;
	s2 =	sadd.s32 s2, s4;
	[dreg:$0x0] =	wrdreg $0x0  }
0xa8: {  	s4 =	sshll.u32 s28, $0x1;
	[dreg:$0x2] =	wrdreg s2  }
0xa9: {  	[dreg:$0x3] =	wrdreg s4  }
0xaa: {  	[dreg:$0x4] =	wrdreg $0xC0  }
0xab: {  	_ =	task [dreg:s6], $0x5FFFF  }
0xac: {  	[dreg:$0x1] =	wrdreg $0xFFFFFFFF  }
0xad: {  	[dreg:$0x0] =	wrdreg $0x60  }
0xae: {  	[dreg:$0x2] =	wrdreg s24  }
0xaf: {  	[dreg:$0x3] =	wrdreg $0x0  }
0xb0: {  	[dreg:$0x4] =	wrdreg $0x9  }
0xb1: {  	_ =	task.clear_ibuf [dreg:s6], $0x5FFFF;
	_ =	strace $0x90000046  }
0xb2: {  	s29 =	simm.s32 $0x9;
	_ =	strace $0x80000048  }
0xb3: {  	_ =	swait.ge [sflag:s29], $0x1  }
0xb4: {  	[sflag:s29] =	ssyncadd.s32 $0xFFFFFFFF  }
0xb5: {  	_ =	strace $0x90000048  }
0xb6: {  	_ =	sfence  }
0xb7: {  	s30 =	sld [smem:$0x0];
	_ =	sdelay $0x2  }
0xb8: {  	s31 =	sshll.u32 s1, $0xD;
	s1 =	sshrl.u32 s1, $0x2  }
0xb9: {  	s3 =	sand.u32 $0x4000, s31;
	s1 =	sadd.s32 s1, s30  }
0xba: {  	s0 =	sor.u32 s3, s0;
	s1 =	sshll.u32 s1, $0x11  }
0xbb: {  	s0 =	sor.u32 s1, s0  }
0xbc: {  	s0 =	sadd.s32 $0x8F2B, s0  }
0xbd: {  	[sflag:s0] =	ssyncadd.remote.s32 $0x1  }
0xbe: {  	_ =	sfence.sel $0xFFFF  }
0xbf: {  	[dreg:$0x0] =	wrdreg $0xFFFFFFFF;
	(pc) =	sbr.abs _section_cstart, $3  }
0xc0: {  	[dreg:$0x1] =	wrdreg $0xFFFFFFFF  }
0xc1: {  	_ =	task.clear_ibuf [dreg:s6], $0x2FFFF;
	_ =	strace $0x9FFFFFFF  }
0xc2: {  	(tm) =	ssettm $0x7FFFFFFF  }
0xc3: {  	_ =	shalt  }
tec
execute0_lowered:
.L_overlay_start_1:
0x0: {  	(tag) =	ssettag $0x1  }
0x1: {  	s0 =	rddreg [dreg:$0x0]  }
0x2: {  	s2 =	rddreg [dreg:$0x1]  }
0x3: {  	s13 =	stileid.u32;
	s1 =	srdreg.scid;
	s3 =	simm.s32 $0x0  }
0x4: {  	s14 =	simm.s32 $0x13C00;
	s15 =	simm.s32 $0x14000;
	s16 =	simm.s32 $0x80  }
0x5: {  	s17 =	simm.s32 $0x13C80;
	s18 =	simm.s32 $0x14400;
	s19 =	simm.s32 $0x13D80  }
0x6: {  	s20 =	simm.s32 $0x13E80;
	s21 =	simm.s32 $0x13F80;
	s22 =	simm.s32 $0x2  }
0x7: {  	s28 =	simm.s32 $0x14380;
	s29 =	simm.s32 $0x1;
	s11 =	smul.u32 $0x2780, s13  }
0x8: {  	s30 =	simm.s32 $0x0;
	s1 =	sand.u32 $0x1, s1;
	s7 =	smul.u32 $0x4F000, s13  }
0x9: {  	[smem:$0x7FF] =	sst s3;
	s10 =	smul.u32 $0x5800, s13;
	s25 =	sshll.u32 s13, $0x6  }
0xa: {  	s5 =	smul.u32 $0x27800, s1;
	s4 =	sshll.u32 s1, $0x4;
	_ =	strace $0x80000047  }
0xb: {  	s23 =	ssub.s32 $0x2, s1;
	s1 =	smul.u32 $0x58000, s1;
	s6 =	sor.u32 s13, s4  }
0xc: {  	s4 =	sadd.s32 $0x2200, s0;
	s8 =	sadd.s32 s11, s0;
	s9 =	sshrl.u32 s23, $0x1  }
0xd: {  	s7 =	sshrl.u32 s7, $0x2;
	s13 =	simm.s32 $0x3;
	s6 =	smul.u32 $0x5800, s6  }
0xe: {  	s0 =	sadd.s32 s5, s0;
	s9 =	ssub.s32 s23, s9;
	s12 =	sadd.s32 s7, s2  }
0xf: {  	s24 =	sadd.s32 $0x18200, s8;
	s1 =	sadd.s32 s10, s1;
	s23 =	simm.s32 $0x14080  }
0x10: {  	[dreg:$0x3] =	wrdreg s24;
	s10 =	sadd.s32 $0xC00, s1;
	s24 =	sadd.s32 $0x3FA00, s0  }
0x11: {  	s9 =	smax.u32 s9, $0x1;
	s0 =	sadd.s32 $0x800, s1;
	s12 =	sshrl.u32 s12, $0x3  }
0x12: {  	s26 =	sshrl.u32 s6, $0x3;
	s6 =	sor.u32 $0x1C03, s25;
	s31 =	sshrl.u32 s10, $0x3  }
0x13: {  	s24 =	sadd.s32 s11, s24;
	s25 =	simm.s32 $0x14180;
	s7 =	sadd.s32 s4, s26  }
0x14: {  	v0 =	vimm.f32 $1.000000000e+00;
	s10 =	sadd.s32 s31, s4;
	s26 =	simm.s32 $0x14280;
	s8 =	sadd.s32 $0x80, s7  }
.LBB2_1:
0x15: {  	s1 =	rddreg [dreg:$0x3]  }
0x16: {  	[spmem:s12], [sflag:s6] =	dma.local [hbm:s1], $0x2780  }
0x17: {  	_ =	swait.ge [sflag:s13], $0x2780  }
0x18: {  	[sflag:s13] =	ssyncset.done $0x0  }
0x19: {  	s11 =	simm.s32 $0x200;
	s1 =	simm.s32 $0x0;
	[sflag:s13] =	ssyncadd.s32 $0xFFFFD880  }
.LBB2_2:
0x1a: {  	p0 =	sne.s32 s11, $0xFE00;
	[tilespmem:s1+$0x14470] =	vst v0  }
0x1b: {  	[tilespmem:s1+$0x14400] =	vst v0  }
0x1c: {  	[tilespmem:s1+$0x14410] =	vst v0  }
.Ltmp0:
0x1d: {  	[tilespmem:s1+$0x14420] =	vst v0;
	(pc) =	sbr.rel @p0 .LBB2_2-.Ltmp0, $4  }
0x1e: {  	[tilespmem:s1+$0x14430] =	vst v0  }
0x1f: {  	[tilespmem:s1+$0x14440] =	vst v0  }
0x20: {  	[tilespmem:s1+$0x14450] =	vst v0  }
0x21: {  	[tilespmem:s1+$0x14460] =	vst v0;
	s1 =	sshra.s32 s11, $0x2;
	s11 =	sadd.s32 $0x200, s11  }
0x22: {  	[tilespmem:s1+$0x14470] =	vst v0  }
0x23: {  	[tilespmem:s1+$0x14400] =	vst v0  }
0x24: {  	[tilespmem:s1+$0x14410] =	vst v0  }
0x25: {  	[tilespmem:s1+$0x14420] =	vst v0  }
0x26: {  	[tilespmem:s1+$0x14430] =	vst v0  }
0x27: {  	[tilespmem:s1+$0x14440] =	vst v0  }
0x28: {  	[tilespmem:s1+$0x14450] =	vst v0  }
0x29: {  	[tilespmem:s1+$0x14460] =	vst v0;
	s11 =	simm.s32 $0x0  }
0x2a: {  	[tilespmem:s14], [sflag:$0x3] =	stream.linear.gather [hbm4b:s7+s11], $0x400, $0x38;
	[tilespmem:$0x18400] =	vst v63  }
0x2b: {  	_ =	swait.ge [sflag:s13], $0x400  }
0x2c: {  	[sflag:s13] =	ssyncset.done $0x0  }
0x2d: {  	[sflag:s13] =	ssyncadd.s32 $0xFFFFFC00  }
0x2e: {  	[tilespmem:s15], [sflag:$0x2] =	stream.linear.gather [hbm4b:s8+s11], $0x400, $0x38;
	[tilespmem:$0x18400] =	vst v63  }
0x2f: {  	[bflag:$0x0] =	sbarrier.arrive $0xFFFF  }
0x30: {  	[spmem:s2] =	stream.indirect.scatter.add.f32 [tilespmem:s18], [sflag:$0x3], $0x80, s17, s16, $0xb8;
	[tilespmem:$0x18400] =	vst v63  }
0x31: {  	_ =	swait.ge [sflag:s13], $0x4000  }
0x32: {  	[sflag:s13] =	ssyncset.done $0x0  }
0x33: {  	[sflag:s13] =	ssyncadd.s32 $0xFFFFC000  }
0x34: {  	[spmem:s2] =	stream.indirect.scatter.add.f32 [tilespmem:s18], [sflag:$0x3], $0x80, s19, s16, $0xb8;
	[tilespmem:$0x18400] =	vst v63  }
0x35: {  	_ =	swait.ge [sflag:s13], $0x4000  }
0x36: {  	[sflag:s13] =	ssyncset.done $0x0  }
0x37: {  	[sflag:s13] =	ssyncadd.s32 $0xFFFFC000  }
0x38: {  	[spmem:s2] =	stream.indirect.scatter.add.f32 [tilespmem:s18], [sflag:$0x3], $0x80, s20, s16, $0xb8;
	[tilespmem:$0x18400] =	vst v63  }
0x39: {  	_ =	swait.ge [sflag:s13], $0x4000  }
0x3a: {  	[sflag:s13] =	ssyncset.done $0x0  }
0x3b: {  	[sflag:s13] =	ssyncadd.s32 $0xFFFFC000  }
0x3c: {  	[spmem:s2] =	stream.indirect.scatter.add.f32 [tilespmem:s18], [sflag:$0x3], $0x80, s21, s16, $0xb8;
	[tilespmem:$0x18400] =	vst v63  }
0x3d: {  	_ =	swait.ge [sflag:s13], $0x4000  }
0x3e: {  	s5 =	sshrl.u32 s0, $0x3;
	[sflag:s13] =	ssyncset.done $0x0  }
0x3f: {  	s1 =	sadd.s32 s4, s5;
	[sflag:s13] =	ssyncadd.s32 $0xFFFFC000  }
0x40: {  	[tilespmem:s14], [sflag:$0x1] =	stream.linear.gather [hbm4b:s1+s3], $0x400, $0x38;
	[tilespmem:$0x18400] =	vst v63  }
0x41: {  	_ =	swait.ge [sflag:s22], $0x400  }
0x42: {  	[sflag:s22] =	ssyncset.done $0x0  }
0x43: {  	[sflag:s22] =	ssyncadd.s32 $0xFFFFFC00  }
0x44: {  	[spmem:s2] =	stream.indirect.scatter.add.f32 [tilespmem:s18], [sflag:$0x3], $0x80, s23, s16, $0xb8;
	[tilespmem:$0x18400] =	vst v63  }
0x45: {  	_ =	swait.ge [sflag:s13], $0x4000  }
0x46: {  	[sflag:s13] =	ssyncset.done $0x0  }
0x47: {  	[sflag:s13] =	ssyncadd.s32 $0xFFFFC000  }
0x48: {  	[spmem:s2] =	stream.indirect.scatter.add.f32 [tilespmem:s18], [sflag:$0x3], $0x80, s25, s16, $0xb8;
	[tilespmem:$0x18400] =	vst v63  }
0x49: {  	_ =	swait.ge [sflag:s13], $0x4000  }
0x4a: {  	[sflag:s13] =	ssyncset.done $0x0  }
0x4b: {  	[sflag:s13] =	ssyncadd.s32 $0xFFFFC000  }
0x4c: {  	[spmem:s2] =	stream.indirect.scatter.add.f32 [tilespmem:s18], [sflag:$0x3], $0x80, s26, s16, $0xb8;
	[tilespmem:$0x18400] =	vst v63  }
0x4d: {  	_ =	swait.ge [sflag:s13], $0x4000  }
0x4e: {  	[sflag:s13] =	ssyncset.done $0x0  }
0x4f: {  	[sflag:s13] =	ssyncadd.s32 $0xFFFFC000  }
0x50: {  	[spmem:s2] =	stream.indirect.scatter.add.f32 [tilespmem:s18], [sflag:$0x3], $0x80, s28, s16, $0xb8;
	[tilespmem:$0x18400] =	vst v63  }
0x51: {  	_ =	swait.ge [sflag:s13], $0x4000  }
0x52: {  	[sflag:s13] =	ssyncset.done $0x0  }
0x53: {  	s11 =	sadd.s32 $0x0, s10;
	[sflag:s13] =	ssyncadd.s32 $0xFFFFC000  }
0x54: {  	[tilespmem:s15], [sflag:$0x2] =	stream.linear.gather [hbm4b:s11+s3], $0x400, $0x38;
	[tilespmem:$0x18400] =	vst v63  }
0x55: {  	_ =	swait.ge [sflag:s29], $0x400  }
0x56: {  	s31 =	simm.s32 $0x100;
	s11 =	smov.u32 s0;
	[sflag:s29] =	ssyncset.done $0x0  }
.LBB2_4:
0x57: {  	p0 =	sne.s32 s31, $0x900;
	[sflag:s29] =	ssyncadd.s32 $0xFFFFFC00;
	s11 =	sadd.s32 $0x800, s11  }
0x58: {  	[spmem:s2] =	stream.indirect.scatter.add.f32 [tilespmem:s18], [sflag:$0x3], $0x80, s17, s16, $0xb8;
	[tilespmem:$0x18400] =	vst v63  }
0x59: {  	s1 =	smov.u32 s31;
	s31 =	sadd.s32 $0x100, s31;
	_ =	swait.ge [sflag:s13], $0x4000  }
0x5a: {  	[sflag:s13] =	ssyncset.done $0x0  }
0x5b: {  	[sflag:s13] =	ssyncadd.s32 $0xFFFFC000  }
0x5c: {  	[spmem:s2] =	stream.indirect.scatter.add.f32 [tilespmem:s18], [sflag:$0x3], $0x80, s19, s16, $0xb8;
	[tilespmem:$0x18400] =	vst v63  }
0x5d: {  	_ =	swait.ge [sflag:s13], $0x4000  }
0x5e: {  	[sflag:s13] =	ssyncset.done $0x0  }
0x5f: {  	[sflag:s13] =	ssyncadd.s32 $0xFFFFC000  }
0x60: {  	[spmem:s2] =	stream.indirect.scatter.add.f32 [tilespmem:s18], [sflag:$0x3], $0x80, s20, s16, $0xb8;
	[tilespmem:$0x18400] =	vst v63  }
0x61: {  	_ =	swait.ge [sflag:s13], $0x4000  }
0x62: {  	[sflag:s13] =	ssyncset.done $0x0  }
0x63: {  	[sflag:s13] =	ssyncadd.s32 $0xFFFFC000  }
0x64: {  	[spmem:s2] =	stream.indirect.scatter.add.f32 [tilespmem:s18], [sflag:$0x3], $0x80, s21, s16, $0xb8;
	[tilespmem:$0x18400] =	vst v63  }
0x65: {  	_ =	swait.ge [sflag:s13], $0x4000  }
0x66: {  	s5 =	sshrl.u32 s11, $0x3;
	[sflag:s13] =	ssyncset.done $0x0  }
0x67: {  	s5 =	sadd.s32 s4, s5;
	[sflag:s13] =	ssyncadd.s32 $0xFFFFC000  }
0x68: {  	[tilespmem:s14], [sflag:$0x1] =	stream.linear.gather [hbm4b:s5+s3], $0x400, $0x38;
	[tilespmem:$0x18400] =	vst v63  }
0x69: {  	_ =	swait.ge [sflag:s22], $0x400  }
0x6a: {  	[sflag:s22] =	ssyncset.done $0x0  }
0x6b: {  	[sflag:s22] =	ssyncadd.s32 $0xFFFFFC00  }
0x6c: {  	[spmem:s2] =	stream.indirect.scatter.add.f32 [tilespmem:s18], [sflag:$0x3], $0x80, s23, s16, $0xb8;
	[tilespmem:$0x18400] =	vst v63  }
0x6d: {  	_ =	swait.ge [sflag:s13], $0x4000  }
0x6e: {  	[sflag:s13] =	ssyncset.done $0x0  }
0x6f: {  	[sflag:s13] =	ssyncadd.s32 $0xFFFFC000  }
0x70: {  	[spmem:s2] =	stream.indirect.scatter.add.f32 [tilespmem:s18], [sflag:$0x3], $0x80, s25, s16, $0xb8;
	[tilespmem:$0x18400] =	vst v63  }
0x71: {  	_ =	swait.ge [sflag:s13], $0x4000  }
0x72: {  	[sflag:s13] =	ssyncset.done $0x0  }
0x73: {  	[sflag:s13] =	ssyncadd.s32 $0xFFFFC000  }
0x74: {  	[spmem:s2] =	stream.indirect.scatter.add.f32 [tilespmem:s18], [sflag:$0x3], $0x80, s26, s16, $0xb8;
	[tilespmem:$0x18400] =	vst v63  }
0x75: {  	_ =	swait.ge [sflag:s13], $0x4000  }
0x76: {  	[sflag:s13] =	ssyncset.done $0x0  }
0x77: {  	[sflag:s13] =	ssyncadd.s32 $0xFFFFC000  }
0x78: {  	[spmem:s2] =	stream.indirect.scatter.add.f32 [tilespmem:s18], [sflag:$0x3], $0x80, s28, s16, $0xb8;
	[tilespmem:$0x18400] =	vst v63  }
0x79: {  	_ =	swait.ge [sflag:s13], $0x4000  }
.Ltmp1:
0x7a: {  	[sflag:s13] =	ssyncset.done $0x0;
	(pc) =	sbr.rel @p0 .LBB2_4-.Ltmp1, $4  }
0x7b: {  	s1 =	sadd.s32 s1, s10;
	[sflag:s13] =	ssyncadd.s32 $0xFFFFC000  }
0x7c: {  	[tilespmem:s15], [sflag:$0x2] =	stream.linear.gather [hbm4b:s1+s3], $0x400, $0x38;
	[tilespmem:$0x18400] =	vst v63  }
0x7d: {  	_ =	swait.ge [sflag:s29], $0x400  }
0x7e: {  	[sflag:s29] =	ssyncset.done $0x0  }
0x7f: {  	[sflag:s29] =	ssyncadd.s32 $0xFFFFFC00  }
0x80: {  	_ =	swait.ge [sflag:s22], $0x400  }
0x81: {  	s30 =	sadd.s32 $0x1, s30;
	[sflag:s22] =	ssyncset.done $0x0  }
0x82: {  	p0 =	sne.s32 s30, s9;
	[sflag:s22] =	ssyncadd.s32 $0xFFFFFC00  }
.Ltmp2:
0x83: {  	[bflag:$0x0] =	sbarrier.arrive $0xFFFF;
	(pc) =	sbr.rel @p0 .LBB2_1-.Ltmp2, $4  }
0x84: {  	[hbm:s24], [sflag:s6] =	dma.local [spmem:s12], $0x2780  }
0x85: {  	_ =	swait.ge [sflag:s13], $0x2780  }
0x86: {  	[sflag:s13] =	ssyncset.done $0x0  }
0x87: {  	[sflag:s13] =	ssyncadd.s32 $0xFFFFD880  }
0x88: {  	_ =	sfence.sel $0x180000  }
0x89: {  	[bflag:$0x0] =	sbarrier.arrive $0xFFFF  }
0x8a: {  	_ =	strace $0x90000047  }
0x8b: {  	s0 =	stileid.u32;
	[bflag:$0x2] =	sbarrier.arrive $0xFFFF  }
0x8c: {  	p0 =	sne.s32 s0, $0x0;
	s0 =	rddreg [dreg:$0x2]  }
0x8d: {  	s0 =	sadd.s32 @!p0 $0x100000, s0  }
0x8e: {  	[sflag:s0] =	ssyncadd.tile.s32 @!p0 $0x1;
	_ =	shalt  }
.Lfunc_end2:
_tile_overlayer_lowered:
.L_overlay_start_2:
0x8f: {  	(tag) =	ssettag $0x2  }
0x90: {  	s0 =	rddreg [dreg:$0x0];
	s2 =	stileid.u32  }
0x91: {  	s1 =	rddreg [dreg:$0x1];
	p0 =	sne.s32 s2, $0x0  }
0x92: {  	s3 =	rddreg [dreg:$0x2];
	[bflag:$0x3] =	sbarrier.arrive $0xFFFF;
	s2 =	simm.s32 @!p0 $0x1C03  }
0x93: {  	[timem:s3], [sflag:s2] =	dma.local @!p0 [hbm:s0], s1  }
0x94: {  	s0 =	simm.s32 @!p0 $0x3  }
0x95: {  	_ =	swait.ge @!p0 [sflag:s0], s1  }
0x96: {  	s1 =	ssub.s32 @!p0 $0x0, s1;
	[sflag:s0] =	ssyncset.done @!p0 $0x0  }
0x97: {  	[sflag:s0] =	ssyncadd.s32 @!p0 s1  }
0x98: {  	[bflag:$0x3] =	sbarrier.arrive $0xFFFF  }
0x99: {  	_ =	shalt  }

</sc_bundles>
